<compile_context>
chip_gen: v7x
topology: tpu7x:2x2x1
jax: 0.10.2.dev20260603
libtpu: 0.0.44.dev20260713+nightly
codegen_flags: <defaults>
</compile_context>

<pallas_src>
import jax
import jax.numpy as jnp
from jax import lax
from jax.experimental import pallas as pl
from jax.experimental.pallas import tpu as pltpu
from jax.experimental.pallas import tpu_sc as plsc

_D = 32
_B = 16384
_TW = 128

_info = plsc.get_sparse_core_info()
_NC, _NS = _info.num_cores, _info.num_subcores
_NW = _NC * _NS
_BPW = _B // _NW
_NT = 8
_NJ = _BPW // (2 * _NT)


def _gather_body(table_hbm, idx_hbm, out_hbm, idx_v, tba, tbb, slab,
                 sema, semb):
    wid = lax.axis_index("s") * _NC + lax.axis_index("c")
    base = wid * _BPW
    pltpu.sync_copy(idx_hbm.at[pl.ds(pl.multiple_of(base, 8), _BPW)], idx_v)
    f_lo = lax.iota(jnp.int32, 16)
    f_hi = f_lo + 16

    def enqueue(tv, lo, tb, sem):
        for s in range(_NT):
            pltpu.make_async_copy(
                table_hbm.at[:, pl.ds(pl.multiple_of(tv[lo + s], _TW), _TW)],
                tb.at[s],
                sem,
            ).start()

    def drain_extract(cv, lo, k0, tb, sem):
        for s in range(_NT):
            pltpu.make_async_copy(
                table_hbm.at[:, pl.ds(0, _TW)], tb.at[s], sem
            ).wait()
        for s in range(_NT):
            c16 = jnp.full((16,), cv[lo + s], jnp.int32)
            a = plsc.load_gather(tb.at[s], [f_lo, c16])
            b = plsc.load_gather(tb.at[s], [f_hi, c16])
            k = k0 + s
            slab[pl.ds(k * _D, 16)] = a
            slab[pl.ds(k * _D + 16, 16)] = b

    v0 = idx_v[pl.ds(0, 16)]
    tv0 = lax.shift_left(lax.shift_right_logical(v0, 7), 7)
    enqueue(tv0, 0, tba, sema)
    enqueue(tv0, _NT, tbb, semb)

    def body(j, carry):
        v = idx_v[pl.ds(j * 16, 16)]
        cv = lax.bitwise_and(v, _TW - 1)
        drain_extract(cv, 0, j * 16, tba, sema)

        @pl.when(j < _NJ - 1)
        def _():
            vn = idx_v[pl.ds((j + 1) * 16, 16)]
            tvn = lax.shift_left(lax.shift_right_logical(vn, 7), 7)
            enqueue(tvn, 0, tba, sema)

        drain_extract(cv, _NT, j * 16 + _NT, tbb, semb)

        @pl.when(j < _NJ - 1)
        def _():
            vn = idx_v[pl.ds((j + 1) * 16, 16)]
            tvn = lax.shift_left(lax.shift_right_logical(vn, 7), 7)
            enqueue(tvn, _NT, tbb, semb)

        return carry

    lax.fori_loop(0, _NJ, body, 0)
    pltpu.sync_copy(
        slab, out_hbm.at[pl.ds(pl.multiple_of(base * _D, 8), _BPW * _D)]
    )


@jax.jit
def kernel(node_vecs, country_idx):
    table_t = node_vecs.T
    idx = country_idx.astype(jnp.int32).reshape(_B)
    mesh = plsc.VectorSubcoreMesh(core_axis_name="c", subcore_axis_name="s")
    f = pl.kernel(
        _gather_body,
        mesh=mesh,
        out_type=jax.ShapeDtypeStruct((_B * _D,), jnp.float32),
        scratch_types=[
            pltpu.VMEM((_BPW,), jnp.int32),
            pltpu.VMEM((_NT, _D, _TW), jnp.float32),
            pltpu.VMEM((_NT, _D, _TW), jnp.float32),
            pltpu.VMEM((_BPW * _D,), jnp.float32),
            pltpu.SemaphoreType.DMA,
            pltpu.SemaphoreType.DMA,
        ],
        compiler_params=pltpu.CompilerParams(
            skip_device_barrier=True,
            disable_semaphore_checks=True,
            disable_bounds_checks=True,
            needs_layout_passes=False,
        ),
    )
    return f(table_t, idx).reshape(_B, _D)

# --- scband reference (transcript-rebuilt; emitter-appended) ---
"""Pipeline reference for scband-country-lookup-70119636074995 (READ-ONLY COPY).

The authoritative reference and input builder live on the scoring server;
editing this copy changes nothing except your own understanding.
"""

import jax, jax.numpy as jnp
import numpy as np

def setup_inputs(seed: int = 0) -> dict:
    key = jax.random.key(seed)
    k1, k2 = jax.random.split(key)
    node_vecs = jax.random.normal(k1, (1000000, 32), dtype=jnp.float32)
    country_idx = jax.random.randint(k2, (16384, 1), 0, 1000000, dtype=jnp.int64 if jax.config.jax_enable_x64 else jnp.int32)
    return {"node_vecs": node_vecs, "country_idx": country_idx}

def reference(node_vecs, country_idx):
    idx = jnp.squeeze(country_idx, axis=-1)
    return jnp.take(node_vecs, idx, axis=0)

if __name__ == "__main__":
    import jax
    _d = setup_inputs()
    print(jax.jit(kernel)(*tuple(_d.values())))

</pallas_src>

<mosaic_0001>
#map = affine_map<(d0, d1) -> (0, 0)>
#map1 = affine_map<(d0, d1) -> (0)>
module attributes {stable_mosaic.version = 14 : i64} {
  func.func @_gather_body(%arg0: i32, %arg1: i32, %arg2: memref<32x1000000xf32, #tpu.memory_space<hbm>>, %arg3: memref<16384xi32, #tpu.memory_space<hbm>>, %arg4: memref<524288xf32, #tpu.memory_space<hbm>>, %arg5: memref<512xi32, #tpu.memory_space<vmem>>, %arg6: memref<8x32x128xf32, #tpu.memory_space<vmem>>, %arg7: memref<8x32x128xf32, #tpu.memory_space<vmem>>, %arg8: memref<16384xf32, #tpu.memory_space<vmem>>, %arg9: memref<!tpu.dma_semaphore, #tpu.memory_space<semaphore_mem>>, %arg10: memref<!tpu.dma_semaphore, #tpu.memory_space<semaphore_mem>>) attributes {dimension_semantics = [#tpu.dimension_semantics<core_parallel>, #tpu.dimension_semantics<subcore_parallel>], iteration_bounds = array<i64: 2, 16>, scalar_prefetch = 0 : i64, scratch_operands = 6 : i64, tpu.core_type = #tpu.core_type<sc_vector_subcore>, window_params = [{transform_indices = #map}, {transform_indices = #map1}, {transform_indices = #map1}]} {
    %mul3A = arith.constant 2 : i32
    %mul3A_0 = arith.muli %arg1, %mul3A : i32
    %add3A = arith.addi %mul3A_0, %arg0 : i32
    %mul3A_1 = arith.constant 512 : i32
    %mul3A_2 = arith.muli %add3A, %mul3A_1 : i32
    %multiple_of3A = tpu.assume_multiple %mul3A_2, 8 : i32
    "tpu.region"() ({
      %run_scoped3A = tpu.sem_alloc : memref<!tpu.dma_semaphore, #tpu.memory_space<semaphore_mem>>
      %dma_start3A_272 = tpu.memref_slice %arg3[%multiple_of3A] : memref<16384xi32, #tpu.memory_space<hbm>> -> memref<512xi32, #tpu.memory_space<hbm>>
      %dma_start3A_273 = tpu.memref_slice %arg3[%multiple_of3A] : memref<16384xi32, #tpu.memory_space<hbm>> -> memref<512xi32, #tpu.memory_space<hbm>>
      tpu.enqueue_dma source(%dma_start3A_273 : memref<512xi32, #tpu.memory_space<hbm>>) target(%arg5 : memref<512xi32, #tpu.memory_space<vmem>>) target_semaphore(%run_scoped3A : memref<!tpu.dma_semaphore, #tpu.memory_space<semaphore_mem>>)
      %dma_wait3A = tpu.memref_slice %arg3[%multiple_of3A] : memref<16384xi32, #tpu.memory_space<hbm>> -> memref<512xi32, #tpu.memory_space<hbm>>
      %dma_wait3A_274 = tpu.memref_slice %arg3[%multiple_of3A] : memref<16384xi32, #tpu.memory_space<hbm>> -> memref<512xi32, #tpu.memory_space<hbm>>
      tpu.wait_dma2 semaphore(%run_scoped3A : memref<!tpu.dma_semaphore, #tpu.memory_space<semaphore_mem>>) src(%dma_wait3A_274 : memref<512xi32, #tpu.memory_space<hbm>>) dst(%arg5 : memref<512xi32, #tpu.memory_space<vmem>>)
      tpu.yield
    }) : () -> ()
    %iota3A = tpu.iota {dimensions = array<i32: 0>} : vector<16xi32>
    %add3A_3 = arith.constant 16 : i32
    %add3A_4 = vector.broadcast %add3A_3 : i32 to vector<16xi32>
    %add3A_5 = arith.addi %iota3A, %add3A_4 : vector<16xi32>
    %get3A = arith.constant 0 : index
    %get3A_6 = tpu.vector_load %arg5[%get3A] {strides = array<i32>} : memref<512xi32, #tpu.memory_space<vmem>>, vector<16xi32>,
    %shift_right_logical3A = arith.constant 7 : i32
    %shift_right_logical3A_7 = vector.broadcast %shift_right_logical3A : i32 to vector<16xi32>
    %shift_right_logical3A_8 = arith.shrui %get3A_6, %shift_right_logical3A_7 : vector<16xi32>
    %shift_left3A = arith.constant 7 : i32
    %shift_left3A_9 = vector.broadcast %shift_left3A : i32 to vector<16xi32>
    %shift_left3A_10 = arith.shli %shift_right_logical3A_8, %shift_left3A_9 : vector<16xi32>
    %slice3A = vector.extract_strided_slice %shift_left3A_10 {offsets = [0], sizes = [1], strides = [1]} : vector<16xi32> to vector<1xi32>
    %squeeze3A = vector.extract %slice3A[0] : i32 from vector<1xi32>
    %multiple_of3A_11 = tpu.assume_multiple %squeeze3A, 128 : i32
    %dma_start3A = arith.constant 0 : i32
    %dma_start3A_12 = arith.constant 0 : i32
    %dma_start3A_13 = arith.constant 0 : i32
    %dma_start3A_14 = tpu.memref_slice %arg6[%dma_start3A, %dma_start3A_12, %dma_start3A_13] : memref<8x32x128xf32, #tpu.memory_space<vmem>> -> memref<1x32x128xf32, #tpu.memory_space<vmem>>
    %dma_start3A_15 = tpu.memref_squeeze %dma_start3A_14 : memref<1x32x128xf32, #tpu.memory_space<vmem>> -> memref<32x128xf32, #tpu.memory_space<vmem>>
    %dma_start3A_16 = arith.constant 0 : i32
    %dma_start3A_17 = tpu.memref_slice %arg2[%dma_start3A_16, %multiple_of3A_11] : memref<32x1000000xf32, #tpu.memory_space<hbm>> -> memref<32x128xf32, #tpu.memory_space<hbm>>
    %dma_start3A_18 = arith.constant 0 : i32
    %dma_start3A_19 = arith.constant 0 : i32
    %dma_start3A_20 = tpu.memref_slice %arg6[%dma_start3A, %dma_start3A_18, %dma_start3A_19] : memref<8x32x128xf32, #tpu.memory_space<vmem>> -> memref<1x32x128xf32, #tpu.memory_space<vmem>>
    %dma_start3A_21 = tpu.memref_squeeze %dma_start3A_20 : memref<1x32x128xf32, #tpu.memory_space<vmem>> -> memref<32x128xf32, #tpu.memory_space<vmem>>
    %dma_start3A_22 = arith.constant 0 : i32
    %dma_start3A_23 = tpu.memref_slice %arg2[%dma_start3A_22, %multiple_of3A_11] : memref<32x1000000xf32, #tpu.memory_space<hbm>> -> memref<32x128xf32, #tpu.memory_space<hbm>>
    tpu.enqueue_dma source(%dma_start3A_23 : memref<32x128xf32, #tpu.memory_space<hbm>>) target(%dma_start3A_21 : memref<32x128xf32, #tpu.memory_space<vmem>>) target_semaphore(%arg9 : memref<!tpu.dma_semaphore, #tpu.memory_space<semaphore_mem>>)
    %slice3A_24 = vector.extract_strided_slice %shift_left3A_10 {offsets = [1], sizes = [1], strides = [1]} : vector<16xi32> to vector<1xi32>
    %squeeze3A_25 = vector.extract %slice3A_24[0] : i32 from vector<1xi32>
    %multiple_of3A_26 = tpu.assume_multiple %squeeze3A_25, 128 : i32
    %dma_start3A_27 = arith.constant 1 : i32
    %dma_start3A_28 = arith.constant 0 : i32
    %dma_start3A_29 = arith.constant 0 : i32
    %dma_start3A_30 = tpu.memref_slice %arg6[%dma_start3A_27, %dma_start3A_28, %dma_start3A_29] : memref<8x32x128xf32, #tpu.memory_space<vmem>> -> memref<1x32x128xf32, #tpu.memory_space<vmem>>
    %dma_start3A_31 = tpu.memref_squeeze %dma_start3A_30 : memref<1x32x128xf32, #tpu.memory_space<vmem>> -> memref<32x128xf32, #tpu.memory_space<vmem>>
    %dma_start3A_32 = arith.constant 0 : i32
    %dma_start3A_33 = tpu.memref_slice %arg2[%dma_start3A_32, %multiple_of3A_26] : memref<32x1000000xf32, #tpu.memory_space<hbm>> -> memref<32x128xf32, #tpu.memory_space<hbm>>
    %dma_start3A_34 = arith.constant 0 : i32
    %dma_start3A_35 = arith.constant 0 : i32
    %dma_start3A_36 = tpu.memref_slice %arg6[%dma_start3A_27, %dma_start3A_34, %dma_start3A_35] : memref<8x32x128xf32, #tpu.memory_space<vmem>> -> memref<1x32x128xf32, #tpu.memory_space<vmem>>
    %dma_start3A_37 = tpu.memref_squeeze %dma_start3A_36 : memref<1x32x128xf32, #tpu.memory_space<vmem>> -> memref<32x128xf32, #tpu.memory_space<vmem>>
    %dma_start3A_38 = arith.constant 0 : i32
    %dma_start3A_39 = tpu.memref_slice %arg2[%dma_start3A_38, %multiple_of3A_26] : memref<32x1000000xf32, #tpu.memory_space<hbm>> -> memref<32x128xf32, #tpu.memory_space<hbm>>
    tpu.enqueue_dma source(%dma_start3A_39 : memref<32x128xf32, #tpu.memory_space<hbm>>) target(%dma_start3A_37 : memref<32x128xf32, #tpu.memory_space<vmem>>) target_semaphore(%arg9 : memref<!tpu.dma_semaphore, #tpu.memory_space<semaphore_mem>>)
    %slice3A_40 = vector.extract_strided_slice %shift_left3A_10 {offsets = [2], sizes = [1], strides = [1]} : vector<16xi32> to vector<1xi32>
    %squeeze3A_41 = vector.extract %slice3A_40[0] : i32 from vector<1xi32>
    %multiple_of3A_42 = tpu.assume_multiple %squeeze3A_41, 128 : i32
    %dma_start3A_43 = arith.constant 2 : i32
    %dma_start3A_44 = arith.constant 0 : i32
    %dma_start3A_45 = arith.constant 0 : i32
    %dma_start3A_46 = tpu.memref_slice %arg6[%dma_start3A_43, %dma_start3A_44, %dma_start3A_45] : memref<8x32x128xf32, #tpu.memory_space<vmem>> -> memref<1x32x128xf32, #tpu.memory_space<vmem>>
    %dma_start3A_47 = tpu.memref_squeeze %dma_start3A_46 : memref<1x32x128xf32, #tpu.memory_space<vmem>> -> memref<32x128xf32, #tpu.memory_space<vmem>>
    %dma_start3A_48 = arith.constant 0 : i32
    %dma_start3A_49 = tpu.memref_slice %arg2[%dma_start3A_48, %multiple_of3A_42] : memref<32x1000000xf32, #tpu.memory_space<hbm>> -> memref<32x128xf32, #tpu.memory_space<hbm>>
    %dma_start3A_50 = arith.constant 0 : i32
    %dma_start3A_51 = arith.constant 0 : i32
    %dma_start3A_52 = tpu.memref_slice %arg6[%dma_start3A_43, %dma_start3A_50, %dma_start3A_51] : memref<8x32x128xf32, #tpu.memory_space<vmem>> -> memref<1x32x128xf32, #tpu.memory_space<vmem>>
    %dma_start3A_53 = tpu.memref_squeeze %dma_start3A_52 : memref<1x32x128xf32, #tpu.memory_space<vmem>> -> memref<32x128xf32, #tpu.memory_space<vmem>>
    %dma_start3A_54 = arith.constant 0 : i32
    %dma_start3A_55 = tpu.memref_slice %arg2[%dma_start3A_54, %multiple_of3A_42] : memref<32x1000000xf32, #tpu.memory_space<hbm>> -> memref<32x128xf32, #tpu.memory_space<hbm>>
    tpu.enqueue_dma source(%dma_start3A_55 : memref<32x128xf32, #tpu.memory_space<hbm>>) target(%dma_start3A_53 : memref<32x128xf32, #tpu.memory_space<vmem>>) target_semaphore(%arg9 : memref<!tpu.dma_semaphore, #tpu.memory_space<semaphore_mem>>)
    %slice3A_56 = vector.extract_strided_slice %shift_left3A_10 {offsets = [3], sizes = [1], strides = [1]} : vector<16xi32> to vector<1xi32>
    %squeeze3A_57 = vector.extract %slice3A_56[0] : i32 from vector<1xi32>
    %multiple_of3A_58 = tpu.assume_multiple %squeeze3A_57, 128 : i32
    %dma_start3A_59 = arith.constant 3 : i32
    %dma_start3A_60 = arith.constant 0 : i32
    %dma_start3A_61 = arith.constant 0 : i32
    %dma_start3A_62 = tpu.memref_slice %arg6[%dma_start3A_59, %dma_start3A_60, %dma_start3A_61] : memref<8x32x128xf32, #tpu.memory_space<vmem>> -> memref<1x32x128xf32, #tpu.memory_space<vmem>>
    %dma_start3A_63 = tpu.memref_squeeze %dma_start3A_62 : memref<1x32x128xf32, #tpu.memory_space<vmem>> -> memref<32x128xf32, #tpu.memory_space<vmem>>
    %dma_start3A_64 = arith.constant 0 : i32
    %dma_start3A_65 = tpu.memref_slice %arg2[%dma_start3A_64, %multiple_of3A_58] : memref<32x1000000xf32, #tpu.memory_space<hbm>> -> memref<32x128xf32, #tpu.memory_space<hbm>>
    %dma_start3A_66 = arith.constant 0 : i32
    %dma_start3A_67 = arith.constant 0 : i32
    %dma_start3A_68 = tpu.memref_slice %arg6[%dma_start3A_59, %dma_start3A_66, %dma_start3A_67] : memref<8x32x128xf32, #tpu.memory_space<vmem>> -> memref<1x32x128xf32, #tpu.memory_space<vmem>>
    %dma_start3A_69 = tpu.memref_squeeze %dma_start3A_68 : memref<1x32x128xf32, #tpu.memory_space<vmem>> -> memref<32x128xf32, #tpu.memory_space<vmem>>
    %dma_start3A_70 = arith.constant 0 : i32
    %dma_start3A_71 = tpu.memref_slice %arg2[%dma_start3A_70, %multiple_of3A_58] : memref<32x1000000xf32, #tpu.memory_space<hbm>> -> memref<32x128xf32, #tpu.memory_space<hbm>>
    tpu.enqueue_dma source(%dma_start3A_71 : memref<32x128xf32, #tpu.memory_space<hbm>>) target(%dma_start3A_69 : memref<32x128xf32, #tpu.memory_space<vmem>>) target_semaphore(%arg9 : memref<!tpu.dma_semaphore, #tpu.memory_space<semaphore_mem>>)
    %slice3A_72 = vector.extract_strided_slice %shift_left3A_10 {offsets = [4], sizes = [1], strides = [1]} : vector<16xi32> to vector<1xi32>
    %squeeze3A_73 = vector.extract %slice3A_72[0] : i32 from vector<1xi32>
    %multiple_of3A_74 = tpu.assume_multiple %squeeze3A_73, 128 : i32
    %dma_start3A_75 = arith.constant 4 : i32
    %dma_start3A_76 = arith.constant 0 : i32
    %dma_start3A_77 = arith.constant 0 : i32
    %dma_start3A_78 = tpu.memref_slice %arg6[%dma_start3A_75, %dma_start3A_76, %dma_start3A_77] : memref<8x32x128xf32, #tpu.memory_space<vmem>> -> memref<1x32x128xf32, #tpu.memory_space<vmem>>
    %dma_start3A_79 = tpu.memref_squeeze %dma_start3A_78 : memref<1x32x128xf32, #tpu.memory_space<vmem>> -> memref<32x128xf32, #tpu.memory_space<vmem>>
    %dma_start3A_80 = arith.constant 0 : i32
    %dma_start3A_81 = tpu.memref_slice %arg2[%dma_start3A_80, %multiple_of3A_74] : memref<32x1000000xf32, #tpu.memory_space<hbm>> -> memref<32x128xf32, #tpu.memory_space<hbm>>
    %dma_start3A_82 = arith.constant 0 : i32
    %dma_start3A_83 = arith.constant 0 : i32
    %dma_start3A_84 = tpu.memref_slice %arg6[%dma_start3A_75, %dma_start3A_82, %dma_start3A_83] : memref<8x32x128xf32, #tpu.memory_space<vmem>> -> memref<1x32x128xf32, #tpu.memory_space<vmem>>
    %dma_start3A_85 = tpu.memref_squeeze %dma_start3A_84 : memref<1x32x128xf32, #tpu.memory_space<vmem>> -> memref<32x128xf32, #tpu.memory_space<vmem>>
    %dma_start3A_86 = arith.constant 0 : i32
    %dma_start3A_87 = tpu.memref_slice %arg2[%dma_start3A_86, %multiple_of3A_74] : memref<32x1000000xf32, #tpu.memory_space<hbm>> -> memref<32x128xf32, #tpu.memory_space<hbm>>
    tpu.enqueue_dma source(%dma_start3A_87 : memref<32x128xf32, #tpu.memory_space<hbm>>) target(%dma_start3A_85 : memref<32x128xf32, #tpu.memory_space<vmem>>) target_semaphore(%arg9 : memref<!tpu.dma_semaphore, #tpu.memory_space<semaphore_mem>>)
    %slice3A_88 = vector.extract_strided_slice %shift_left3A_10 {offsets = [5], sizes = [1], strides = [1]} : vector<16xi32> to vector<1xi32>
    %squeeze3A_89 = vector.extract %slice3A_88[0] : i32 from vector<1xi32>
    %multiple_of3A_90 = tpu.assume_multiple %squeeze3A_89, 128 : i32
    %dma_start3A_91 = arith.constant 5 : i32
    %dma_start3A_92 = arith.constant 0 : i32
    %dma_start3A_93 = arith.constant 0 : i32
    %dma_start3A_94 = tpu.memref_slice %arg6[%dma_start3A_91, %dma_start3A_92, %dma_start3A_93] : memref<8x32x128xf32, #tpu.memory_space<vmem>> -> memref<1x32x128xf32, #tpu.memory_space<vmem>>
    %dma_start3A_95 = tpu.memref_squeeze %dma_start3A_94 : memref<1x32x128xf32, #tpu.memory_space<vmem>> -> memref<32x128xf32, #tpu.memory_space<vmem>>
    %dma_start3A_96 = arith.constant 0 : i32
    %dma_start3A_97 = tpu.memref_slice %arg2[%dma_start3A_96, %multiple_of3A_90] : memref<32x1000000xf32, #tpu.memory_space<hbm>> -> memref<32x128xf32, #tpu.memory_space<hbm>>
    %dma_start3A_98 = arith.constant 0 : i32
    %dma_start3A_99 = arith.constant 0 : i32
    %dma_start3A_100 = tpu.memref_slice %arg6[%dma_start3A_91, %dma_start3A_98, %dma_start3A_99] : memref<8x32x128xf32, #tpu.memory_space<vmem>> -> memref<1x32x128xf32, #tpu.memory_space<vmem>>
    %dma_start3A_101 = tpu.memref_squeeze %dma_start3A_100 : memref<1x32x128xf32, #tpu.memory_space<vmem>> -> memref<32x128xf32, #tpu.memory_space<vmem>>
    %dma_start3A_102 = arith.constant 0 : i32
    %dma_start3A_103 = tpu.memref_slice %arg2[%dma_start3A_102, %multiple_of3A_90] : memref<32x1000000xf32, #tpu.memory_space<hbm>> -> memref<32x128xf32, #tpu.memory_space<hbm>>
    tpu.enqueue_dma source(%dma_start3A_103 : memref<32x128xf32, #tpu.memory_space<hbm>>) target(%dma_start3A_101 : memref<32x128xf32, #tpu.memory_space<vmem>>) target_semaphore(%arg9 : memref<!tpu.dma_semaphore, #tpu.memory_space<semaphore_mem>>)
    %slice3A_104 = vector.extract_strided_slice %shift_left3A_10 {offsets = [6], sizes = [1], strides = [1]} : vector<16xi32> to vector<1xi32>
    %squeeze3A_105 = vector.extract %slice3A_104[0] : i32 from vector<1xi32>
    %multiple_of3A_106 = tpu.assume_multiple %squeeze3A_105, 128 : i32
    %dma_start3A_107 = arith.constant 6 : i32
    %dma_start3A_108 = arith.constant 0 : i32
    %dma_start3A_109 = arith.constant 0 : i32
    %dma_start3A_110 = tpu.memref_slice %arg6[%dma_start3A_107, %dma_start3A_108, %dma_start3A_109] : memref<8x32x128xf32, #tpu.memory_space<vmem>> -> memref<1x32x128xf32, #tpu.memory_space<vmem>>
    %dma_start3A_111 = tpu.memref_squeeze %dma_start3A_110 : memref<1x32x128xf32, #tpu.memory_space<vmem>> -> memref<32x128xf32, #tpu.memory_space<vmem>>
    %dma_start3A_112 = arith.constant 0 : i32
    %dma_start3A_113 = tpu.memref_slice %arg2[%dma_start3A_112, %multiple_of3A_106] : memref<32x1000000xf32, #tpu.memory_space<hbm>> -> memref<32x128xf32, #tpu.memory_space<hbm>>
    %dma_start3A_114 = arith.constant 0 : i32
    %dma_start3A_115 = arith.constant 0 : i32
    %dma_start3A_116 = tpu.memref_slice %arg6[%dma_start3A_107, %dma_start3A_114, %dma_start3A_115] : memref<8x32x128xf32, #tpu.memory_space<vmem>> -> memref<1x32x128xf32, #tpu.memory_space<vmem>>
    %dma_start3A_117 = tpu.memref_squeeze %dma_start3A_116 : memref<1x32x128xf32, #tpu.memory_space<vmem>> -> memref<32x128xf32, #tpu.memory_space<vmem>>
    %dma_start3A_118 = arith.constant 0 : i32
    %dma_start3A_119 = tpu.memref_slice %arg2[%dma_start3A_118, %multiple_of3A_106] : memref<32x1000000xf32, #tpu.memory_space<hbm>> -> memref<32x128xf32, #tpu.memory_space<hbm>>
    tpu.enqueue_dma source(%dma_start3A_119 : memref<32x128xf32, #tpu.memory_space<hbm>>) target(%dma_start3A_117 : memref<32x128xf32, #tpu.memory_space<vmem>>) target_semaphore(%arg9 : memref<!tpu.dma_semaphore, #tpu.memory_space<semaphore_mem>>)
    %slice3A_120 = vector.extract_strided_slice %shift_left3A_10 {offsets = [7], sizes = [1], strides = [1]} : vector<16xi32> to vector<1xi32>
    %squeeze3A_121 = vector.extract %slice3A_120[0] : i32 from vector<1xi32>
    %multiple_of3A_122 = tpu.assume_multiple %squeeze3A_121, 128 : i32
    %dma_start3A_123 = arith.constant 7 : i32
    %dma_start3A_124 = arith.constant 0 : i32
    %dma_start3A_125 = arith.constant 0 : i32
    %dma_start3A_126 = tpu.memref_slice %arg6[%dma_start3A_123, %dma_start3A_124, %dma_start3A_125] : memref<8x32x128xf32, #tpu.memory_space<vmem>> -> memref<1x32x128xf32, #tpu.memory_space<vmem>>
    %dma_start3A_127 = tpu.memref_squeeze %dma_start3A_126 : memref<1x32x128xf32, #tpu.memory_space<vmem>> -> memref<32x128xf32, #tpu.memory_space<vmem>>
    %dma_start3A_128 = arith.constant 0 : i32
    %dma_start3A_129 = tpu.memref_slice %arg2[%dma_start3A_128, %multiple_of3A_122] : memref<32x1000000xf32, #tpu.memory_space<hbm>> -> memref<32x128xf32, #tpu.memory_space<hbm>>
    %dma_start3A_130 = arith.constant 0 : i32
    %dma_start3A_131 = arith.constant 0 : i32
    %dma_start3A_132 = tpu.memref_slice %arg6[%dma_start3A_123, %dma_start3A_130, %dma_start3A_131] : memref<8x32x128xf32, #tpu.memory_space<vmem>> -> memref<1x32x128xf32, #tpu.memory_space<vmem>>
    %dma_start3A_133 = tpu.memref_squeeze %dma_start3A_132 : memref<1x32x128xf32, #tpu.memory_space<vmem>> -> memref<32x128xf32, #tpu.memory_space<vmem>>
    %dma_start3A_134 = arith.constant 0 : i32
    %dma_start3A_135 = tpu.memref_slice %arg2[%dma_start3A_134, %multiple_of3A_122] : memref<32x1000000xf32, #tpu.memory_space<hbm>> -> memref<32x128xf32, #tpu.memory_space<hbm>>
    tpu.enqueue_dma source(%dma_start3A_135 : memref<32x128xf32, #tpu.memory_space<hbm>>) target(%dma_start3A_133 : memref<32x128xf32, #tpu.memory_space<vmem>>) target_semaphore(%arg9 : memref<!tpu.dma_semaphore, #tpu.memory_space<semaphore_mem>>)
    %slice3A_136 = vector.extract_strided_slice %shift_left3A_10 {offsets = [8], sizes = [1], strides = [1]} : vector<16xi32> to vector<1xi32>
    %squeeze3A_137 = vector.extract %slice3A_136[0] : i32 from vector<1xi32>
    %multiple_of3A_138 = tpu.assume_multiple %squeeze3A_137, 128 : i32
    %dma_start3A_139 = arith.constant 0 : i32
    %dma_start3A_140 = arith.constant 0 : i32
    %dma_start3A_141 = arith.constant 0 : i32
    %dma_start3A_142 = tpu.memref_slice %arg7[%dma_start3A_139, %dma_start3A_140, %dma_start3A_141] : memref<8x32x128xf32, #tpu.memory_space<vmem>> -> memref<1x32x128xf32, #tpu.memory_space<vmem>>
    %dma_start3A_143 = tpu.memref_squeeze %dma_start3A_142 : memref<1x32x128xf32, #tpu.memory_space<vmem>> -> memref<32x128xf32, #tpu.memory_space<vmem>>
    %dma_start3A_144 = arith.constant 0 : i32
    %dma_start3A_145 = tpu.memref_slice %arg2[%dma_start3A_144, %multiple_of3A_138] : memref<32x1000000xf32, #tpu.memory_space<hbm>> -> memref<32x128xf32, #tpu.memory_space<hbm>>
    %dma_start3A_146 = arith.constant 0 : i32
    %dma_start3A_147 = arith.constant 0 : i32
    %dma_start3A_148 = tpu.memref_slice %arg7[%dma_start3A_139, %dma_start3A_146, %dma_start3A_147] : memref<8x32x128xf32, #tpu.memory_space<vmem>> -> memref<1x32x128xf32, #tpu.memory_space<vmem>>
    %dma_start3A_149 = tpu.memref_squeeze %dma_start3A_148 : memref<1x32x128xf32, #tpu.memory_space<vmem>> -> memref<32x128xf32, #tpu.memory_space<vmem>>
    %dma_start3A_150 = arith.constant 0 : i32
    %dma_start3A_151 = tpu.memref_slice %arg2[%dma_start3A_150, %multiple_of3A_138] : memref<32x1000000xf32, #tpu.memory_space<hbm>> -> memref<32x128xf32, #tpu.memory_space<hbm>>
    tpu.enqueue_dma source(%dma_start3A_151 : memref<32x128xf32, #tpu.memory_space<hbm>>) target(%dma_start3A_149 : memref<32x128xf32, #tpu.memory_space<vmem>>) target_semaphore(%arg10 : memref<!tpu.dma_semaphore, #tpu.memory_space<semaphore_mem>>)
    %slice3A_152 = vector.extract_strided_slice %shift_left3A_10 {offsets = [9], sizes = [1], strides = [1]} : vector<16xi32> to vector<1xi32>
    %squeeze3A_153 = vector.extract %slice3A_152[0] : i32 from vector<1xi32>
    %multiple_of3A_154 = tpu.assume_multiple %squeeze3A_153, 128 : i32
    %dma_start3A_155 = arith.constant 1 : i32
    %dma_start3A_156 = arith.constant 0 : i32
    %dma_start3A_157 = arith.constant 0 : i32
    %dma_start3A_158 = tpu.memref_slice %arg7[%dma_start3A_155, %dma_start3A_156, %dma_start3A_157] : memref<8x32x128xf32, #tpu.memory_space<vmem>> -> memref<1x32x128xf32, #tpu.memory_space<vmem>>
    %dma_start3A_159 = tpu.memref_squeeze %dma_start3A_158 : memref<1x32x128xf32, #tpu.memory_space<vmem>> -> memref<32x128xf32, #tpu.memory_space<vmem>>
    %dma_start3A_160 = arith.constant 0 : i32
    %dma_start3A_161 = tpu.memref_slice %arg2[%dma_start3A_160, %multiple_of3A_154] : memref<32x1000000xf32, #tpu.memory_space<hbm>> -> memref<32x128xf32, #tpu.memory_space<hbm>>
    %dma_start3A_162 = arith.constant 0 : i32
    %dma_start3A_163 = arith.constant 0 : i32
    %dma_start3A_164 = tpu.memref_slice %arg7[%dma_start3A_155, %dma_start3A_162, %dma_start3A_163] : memref<8x32x128xf32, #tpu.memory_space<vmem>> -> memref<1x32x128xf32, #tpu.memory_space<vmem>>
    %dma_start3A_165 = tpu.memref_squeeze %dma_start3A_164 : memref<1x32x128xf32, #tpu.memory_space<vmem>> -> memref<32x128xf32, #tpu.memory_space<vmem>>
    %dma_start3A_166 = arith.constant 0 : i32
    %dma_start3A_167 = tpu.memref_slice %arg2[%dma_start3A_166, %multiple_of3A_154] : memref<32x1000000xf32, #tpu.memory_space<hbm>> -> memref<32x128xf32, #tpu.memory_space<hbm>>
    tpu.enqueue_dma source(%dma_start3A_167 : memref<32x128xf32, #tpu.memory_space<hbm>>) target(%dma_start3A_165 : memref<32x128xf32, #tpu.memory_space<vmem>>) target_semaphore(%arg10 : memref<!tpu.dma_semaphore, #tpu.memory_space<semaphore_mem>>)
    %slice3A_168 = vector.extract_strided_slice %shift_left3A_10 {offsets = [10], sizes = [1], strides = [1]} : vector<16xi32> to vector<1xi32>
    %squeeze3A_169 = vector.extract %slice3A_168[0] : i32 from vector<1xi32>
    %multiple_of3A_170 = tpu.assume_multiple %squeeze3A_169, 128 : i32
    %dma_start3A_171 = arith.constant 2 : i32
    %dma_start3A_172 = arith.constant 0 : i32
    %dma_start3A_173 = arith.constant 0 : i32
    %dma_start3A_174 = tpu.memref_slice %arg7[%dma_start3A_171, %dma_start3A_172, %dma_start3A_173] : memref<8x32x128xf32, #tpu.memory_space<vmem>> -> memref<1x32x128xf32, #tpu.memory_space<vmem>>
    %dma_start3A_175 = tpu.memref_squeeze %dma_start3A_174 : memref<1x32x128xf32, #tpu.memory_space<vmem>> -> memref<32x128xf32, #tpu.memory_space<vmem>>
    %dma_start3A_176 = arith.constant 0 : i32
    %dma_start3A_177 = tpu.memref_slice %arg2[%dma_start3A_176, %multiple_of3A_170] : memref<32x1000000xf32, #tpu.memory_space<hbm>> -> memref<32x128xf32, #tpu.memory_space<hbm>>
    %dma_start3A_178 = arith.constant 0 : i32
    %dma_start3A_179 = arith.constant 0 : i32
    %dma_start3A_180 = tpu.memref_slice %arg7[%dma_start3A_171, %dma_start3A_178, %dma_start3A_179] : memref<8x32x128xf32, #tpu.memory_space<vmem>> -> memref<1x32x128xf32, #tpu.memory_space<vmem>>
    %dma_start3A_181 = tpu.memref_squeeze %dma_start3A_180 : memref<1x32x128xf32, #tpu.memory_space<vmem>> -> memref<32x128xf32, #tpu.memory_space<vmem>>
    %dma_start3A_182 = arith.constant 0 : i32
    %dma_start3A_183 = tpu.memref_slice %arg2[%dma_start3A_182, %multiple_of3A_170] : memref<32x1000000xf32, #tpu.memory_space<hbm>> -> memref<32x128xf32, #tpu.memory_space<hbm>>
    tpu.enqueue_dma source(%dma_start3A_183 : memref<32x128xf32, #tpu.memory_space<hbm>>) target(%dma_start3A_181 : memref<32x128xf32, #tpu.memory_space<vmem>>) target_semaphore(%arg10 : memref<!tpu.dma_semaphore, #tpu.memory_space<semaphore_mem>>)
    %slice3A_184 = vector.extract_strided_slice %shift_left3A_10 {offsets = [11], sizes = [1], strides = [1]} : vector<16xi32> to vector<1xi32>
    %squeeze3A_185 = vector.extract %slice3A_184[0] : i32 from vector<1xi32>
    %multiple_of3A_186 = tpu.assume_multiple %squeeze3A_185, 128 : i32
    %dma_start3A_187 = arith.constant 3 : i32
    %dma_start3A_188 = arith.constant 0 : i32
    %dma_start3A_189 = arith.constant 0 : i32
    %dma_start3A_190 = tpu.memref_slice %arg7[%dma_start3A_187, %dma_start3A_188, %dma_start3A_189] : memref<8x32x128xf32, #tpu.memory_space<vmem>> -> memref<1x32x128xf32, #tpu.memory_space<vmem>>
    %dma_start3A_191 = tpu.memref_squeeze %dma_start3A_190 : memref<1x32x128xf32, #tpu.memory_space<vmem>> -> memref<32x128xf32, #tpu.memory_space<vmem>>
    %dma_start3A_192 = arith.constant 0 : i32
    %dma_start3A_193 = tpu.memref_slice %arg2[%dma_start3A_192, %multiple_of3A_186] : memref<32x1000000xf32, #tpu.memory_space<hbm>> -> memref<32x128xf32, #tpu.memory_space<hbm>>
    %dma_start3A_194 = arith.constant 0 : i32
    %dma_start3A_195 = arith.constant 0 : i32
    %dma_start3A_196 = tpu.memref_slice %arg7[%dma_start3A_187, %dma_start3A_194, %dma_start3A_195] : memref<8x32x128xf32, #tpu.memory_space<vmem>> -> memref<1x32x128xf32, #tpu.memory_space<vmem>>
    %dma_start3A_197 = tpu.memref_squeeze %dma_start3A_196 : memref<1x32x128xf32, #tpu.memory_space<vmem>> -> memref<32x128xf32, #tpu.memory_space<vmem>>
    %dma_start3A_198 = arith.constant 0 : i32
    %dma_start3A_199 = tpu.memref_slice %arg2[%dma_start3A_198, %multiple_of3A_186] : memref<32x1000000xf32, #tpu.memory_space<hbm>> -> memref<32x128xf32, #tpu.memory_space<hbm>>
    tpu.enqueue_dma source(%dma_start3A_199 : memref<32x128xf32, #tpu.memory_space<hbm>>) target(%dma_start3A_197 : memref<32x128xf32, #tpu.memory_space<vmem>>) target_semaphore(%arg10 : memref<!tpu.dma_semaphore, #tpu.memory_space<semaphore_mem>>)
    %slice3A_200 = vector.extract_strided_slice %shift_left3A_10 {offsets = [12], sizes = [1], strides = [1]} : vector<16xi32> to vector<1xi32>
    %squeeze3A_201 = vector.extract %slice3A_200[0] : i32 from vector<1xi32>
    %multiple_of3A_202 = tpu.assume_multiple %squeeze3A_201, 128 : i32
    %dma_start3A_203 = arith.constant 4 : i32
    %dma_start3A_204 = arith.constant 0 : i32
    %dma_start3A_205 = arith.constant 0 : i32
    %dma_start3A_206 = tpu.memref_slice %arg7[%dma_start3A_203, %dma_start3A_204, %dma_start3A_205] : memref<8x32x128xf32, #tpu.memory_space<vmem>> -> memref<1x32x128xf32, #tpu.memory_space<vmem>>
    %dma_start3A_207 = tpu.memref_squeeze %dma_start3A_206 : memref<1x32x128xf32, #tpu.memory_space<vmem>> -> memref<32x128xf32, #tpu.memory_space<vmem>>
    %dma_start3A_208 = arith.constant 0 : i32
    %dma_start3A_209 = tpu.memref_slice %arg2[%dma_start3A_208, %multiple_of3A_202] : memref<32x1000000xf32, #tpu.memory_space<hbm>> -> memref<32x128xf32, #tpu.memory_space<hbm>>
    %dma_start3A_210 = arith.constant 0 : i32
    %dma_start3A_211 = arith.constant 0 : i32
    %dma_start3A_212 = tpu.memref_slice %arg7[%dma_start3A_203, %dma_start3A_210, %dma_start3A_211] : memref<8x32x128xf32, #tpu.memory_space<vmem>> -> memref<1x32x128xf32, #tpu.memory_space<vmem>>
    %dma_start3A_213 = tpu.memref_squeeze %dma_start3A_212 : memref<1x32x128xf32, #tpu.memory_space<vmem>> -> memref<32x128xf32, #tpu.memory_space<vmem>>
    %dma_start3A_214 = arith.constant 0 : i32
    %dma_start3A_215 = tpu.memref_slice %arg2[%dma_start3A_214, %multiple_of3A_202] : memref<32x1000000xf32, #tpu.memory_space<hbm>> -> memref<32x128xf32, #tpu.memory_space<hbm>>
    tpu.enqueue_dma source(%dma_start3A_215 : memref<32x128xf32, #tpu.memory_space<hbm>>) target(%dma_start3A_213 : memref<32x128xf32, #tpu.memory_space<vmem>>) target_semaphore(%arg10 : memref<!tpu.dma_semaphore, #tpu.memory_space<semaphore_mem>>)
    %slice3A_216 = vector.extract_strided_slice %shift_left3A_10 {offsets = [13], sizes = [1], strides = [1]} : vector<16xi32> to vector<1xi32>
    %squeeze3A_217 = vector.extract %slice3A_216[0] : i32 from vector<1xi32>
    %multiple_of3A_218 = tpu.assume_multiple %squeeze3A_217, 128 : i32
    %dma_start3A_219 = arith.constant 5 : i32
    %dma_start3A_220 = arith.constant 0 : i32
    %dma_start3A_221 = arith.constant 0 : i32
    %dma_start3A_222 = tpu.memref_slice %arg7[%dma_start3A_219, %dma_start3A_220, %dma_start3A_221] : memref<8x32x128xf32, #tpu.memory_space<vmem>> -> memref<1x32x128xf32, #tpu.memory_space<vmem>>
    %dma_start3A_223 = tpu.memref_squeeze %dma_start3A_222 : memref<1x32x128xf32, #tpu.memory_space<vmem>> -> memref<32x128xf32, #tpu.memory_space<vmem>>
    %dma_start3A_224 = arith.constant 0 : i32
    %dma_start3A_225 = tpu.memref_slice %arg2[%dma_start3A_224, %multiple_of3A_218] : memref<32x1000000xf32, #tpu.memory_space<hbm>> -> memref<32x128xf32, #tpu.memory_space<hbm>>
    %dma_start3A_226 = arith.constant 0 : i32
    %dma_start3A_227 = arith.constant 0 : i32
    %dma_start3A_228 = tpu.memref_slice %arg7[%dma_start3A_219, %dma_start3A_226, %dma_start3A_227] : memref<8x32x128xf32, #tpu.memory_space<vmem>> -> memref<1x32x128xf32, #tpu.memory_space<vmem>>
    %dma_start3A_229 = tpu.memref_squeeze %dma_start3A_228 : memref<1x32x128xf32, #tpu.memory_space<vmem>> -> memref<32x128xf32, #tpu.memory_space<vmem>>
    %dma_start3A_230 = arith.constant 0 : i32
    %dma_start3A_231 = tpu.memref_slice %arg2[%dma_start3A_230, %multiple_of3A_218] : memref<32x1000000xf32, #tpu.memory_space<hbm>> -> memref<32x128xf32, #tpu.memory_space<hbm>>
    tpu.enqueue_dma source(%dma_start3A_231 : memref<32x128xf32, #tpu.memory_space<hbm>>) target(%dma_start3A_229 : memref<32x128xf32, #tpu.memory_space<vmem>>) target_semaphore(%arg10 : memref<!tpu.dma_semaphore, #tpu.memory_space<semaphore_mem>>)
    %slice3A_232 = vector.extract_strided_slice %shift_left3A_10 {offsets = [14], sizes = [1], strides = [1]} : vector<16xi32> to vector<1xi32>
    %squeeze3A_233 = vector.extract %slice3A_232[0] : i32 from vector<1xi32>
    %multiple_of3A_234 = tpu.assume_multiple %squeeze3A_233, 128 : i32
    %dma_start3A_235 = arith.constant 6 : i32
    %dma_start3A_236 = arith.constant 0 : i32
    %dma_start3A_237 = arith.constant 0 : i32
    %dma_start3A_238 = tpu.memref_slice %arg7[%dma_start3A_235, %dma_start3A_236, %dma_start3A_237] : memref<8x32x128xf32, #tpu.memory_space<vmem>> -> memref<1x32x128xf32, #tpu.memory_space<vmem>>
    %dma_start3A_239 = tpu.memref_squeeze %dma_start3A_238 : memref<1x32x128xf32, #tpu.memory_space<vmem>> -> memref<32x128xf32, #tpu.memory_space<vmem>>
    %dma_start3A_240 = arith.constant 0 : i32
    %dma_start3A_241 = tpu.memref_slice %arg2[%dma_start3A_240, %multiple_of3A_234] : memref<32x1000000xf32, #tpu.memory_space<hbm>> -> memref<32x128xf32, #tpu.memory_space<hbm>>
    %dma_start3A_242 = arith.constant 0 : i32
    %dma_start3A_243 = arith.constant 0 : i32
    %dma_start3A_244 = tpu.memref_slice %arg7[%dma_start3A_235, %dma_start3A_242, %dma_start3A_243] : memref<8x32x128xf32, #tpu.memory_space<vmem>> -> memref<1x32x128xf32, #tpu.memory_space<vmem>>
    %dma_start3A_245 = tpu.memref_squeeze %dma_start3A_244 : memref<1x32x128xf32, #tpu.memory_space<vmem>> -> memref<32x128xf32, #tpu.memory_space<vmem>>
    %dma_start3A_246 = arith.constant 0 : i32
    %dma_start3A_247 = tpu.memref_slice %arg2[%dma_start3A_246, %multiple_of3A_234] : memref<32x1000000xf32, #tpu.memory_space<hbm>> -> memref<32x128xf32, #tpu.memory_space<hbm>>
    tpu.enqueue_dma source(%dma_start3A_247 : memref<32x128xf32, #tpu.memory_space<hbm>>) target(%dma_start3A_245 : memref<32x128xf32, #tpu.memory_space<vmem>>) target_semaphore(%arg10 : memref<!tpu.dma_semaphore, #tpu.memory_space<semaphore_mem>>)
    %slice3A_248 = vector.extract_strided_slice %shift_left3A_10 {offsets = [15], sizes = [1], strides = [1]} : vector<16xi32> to vector<1xi32>
    %squeeze3A_249 = vector.extract %slice3A_248[0] : i32 from vector<1xi32>
    %multiple_of3A_250 = tpu.assume_multiple %squeeze3A_249, 128 : i32
    %dma_start3A_251 = arith.constant 7 : i32
    %dma_start3A_252 = arith.constant 0 : i32
    %dma_start3A_253 = arith.constant 0 : i32
    %dma_start3A_254 = tpu.memref_slice %arg7[%dma_start3A_251, %dma_start3A_252, %dma_start3A_253] : memref<8x32x128xf32, #tpu.memory_space<vmem>> -> memref<1x32x128xf32, #tpu.memory_space<vmem>>
    %dma_start3A_255 = tpu.memref_squeeze %dma_start3A_254 : memref<1x32x128xf32, #tpu.memory_space<vmem>> -> memref<32x128xf32, #tpu.memory_space<vmem>>
    %dma_start3A_256 = arith.constant 0 : i32
    %dma_start3A_257 = tpu.memref_slice %arg2[%dma_start3A_256, %multiple_of3A_250] : memref<32x1000000xf32, #tpu.memory_space<hbm>> -> memref<32x128xf32, #tpu.memory_space<hbm>>
    %dma_start3A_258 = arith.constant 0 : i32
    %dma_start3A_259 = arith.constant 0 : i32
    %dma_start3A_260 = tpu.memref_slice %arg7[%dma_start3A_251, %dma_start3A_258, %dma_start3A_259] : memref<8x32x128xf32, #tpu.memory_space<vmem>> -> memref<1x32x128xf32, #tpu.memory_space<vmem>>
    %dma_start3A_261 = tpu.memref_squeeze %dma_start3A_260 : memref<1x32x128xf32, #tpu.memory_space<vmem>> -> memref<32x128xf32, #tpu.memory_space<vmem>>
    %dma_start3A_262 = arith.constant 0 : i32
    %dma_start3A_263 = tpu.memref_slice %arg2[%dma_start3A_262, %multiple_of3A_250] : memref<32x1000000xf32, #tpu.memory_space<hbm>> -> memref<32x128xf32, #tpu.memory_space<hbm>>
    tpu.enqueue_dma source(%dma_start3A_263 : memref<32x128xf32, #tpu.memory_space<hbm>>) target(%dma_start3A_261 : memref<32x128xf32, #tpu.memory_space<vmem>>) target_semaphore(%arg10 : memref<!tpu.dma_semaphore, #tpu.memory_space<semaphore_mem>>)
    %scan3A = arith.constant 0 : i32
    %scan3A_264 = arith.constant 0 : i32
    %scan3A_265 = arith.constant 32 : i32
    %scan3A_266 = arith.addi %scan3A_264, %scan3A_265 : i32
    %scan3A_267 = arith.constant 1 : i32
    scf.for %scan3A_272 = %scan3A_264 to %scan3A_266 step %scan3A_267  : i32 {
      %mul3A_273 = arith.constant 16 : i32
      %mul3A_274 = arith.muli %scan3A_272, %mul3A_273 : i32
      %get3A_275 = arith.index_cast %mul3A_274 : i32 to index
      %get3A_276 = tpu.vector_load %arg5[%get3A_275] {strides = array<i32>} : memref<512xi32, #tpu.memory_space<vmem>>, vector<16xi32>,
      %and3A = arith.constant 127 : i32
      %and3A_277 = vector.broadcast %and3A : i32 to vector<16xi32>
      %and3A_278 = arith.andi %get3A_276, %and3A_277 : vector<16xi32>
      %mul3A_279 = arith.constant 16 : i32
      %mul3A_280 = arith.muli %scan3A_272, %mul3A_279 : i32
      %dma_wait3A = arith.constant 0 : i32
      %dma_wait3A_281 = arith.constant 0 : i32
      %dma_wait3A_282 = arith.constant 0 : i32
      %dma_wait3A_283 = tpu.memref_slice %arg6[%dma_wait3A, %dma_wait3A_281, %dma_wait3A_282] : memref<8x32x128xf32, #tpu.memory_space<vmem>> -> memref<1x32x128xf32, #tpu.memory_space<vmem>>
      %dma_wait3A_284 = tpu.memref_squeeze %dma_wait3A_283 : memref<1x32x128xf32, #tpu.memory_space<vmem>> -> memref<32x128xf32, #tpu.memory_space<vmem>>
      %dma_wait3A_285 = arith.constant 0 : i32
      %dma_wait3A_286 = arith.constant 0 : i32
      %dma_wait3A_287 = tpu.memref_slice %arg2[%dma_wait3A_285, %dma_wait3A_286] : memref<32x1000000xf32, #tpu.memory_space<hbm>> -> memref<32x128xf32, #tpu.memory_space<hbm>>
      %dma_wait3A_288 = arith.constant 0 : i32
      %dma_wait3A_289 = arith.constant 0 : i32
      %dma_wait3A_290 = tpu.memref_slice %arg6[%dma_wait3A, %dma_wait3A_288, %dma_wait3A_289] : memref<8x32x128xf32, #tpu.memory_space<vmem>> -> memref<1x32x128xf32, #tpu.memory_space<vmem>>
      %dma_wait3A_291 = tpu.memref_squeeze %dma_wait3A_290 : memref<1x32x128xf32, #tpu.memory_space<vmem>> -> memref<32x128xf32, #tpu.memory_space<vmem>>
      %dma_wait3A_292 = arith.constant 0 : i32
      %dma_wait3A_293 = arith.constant 0 : i32
      %dma_wait3A_294 = tpu.memref_slice %arg2[%dma_wait3A_292, %dma_wait3A_293] : memref<32x1000000xf32, #tpu.memory_space<hbm>> -> memref<32x128xf32, #tpu.memory_space<hbm>>
      tpu.wait_dma2 semaphore(%arg9 : memref<!tpu.dma_semaphore, #tpu.memory_space<semaphore_mem>>) src(%dma_wait3A_294 : memref<32x128xf32, #tpu.memory_space<hbm>>) dst(%dma_wait3A_291 : memref<32x128xf32, #tpu.memory_space<vmem>>)
      %dma_wait3A_295 = arith.constant 1 : i32
      %dma_wait3A_296 = arith.constant 0 : i32
      %dma_wait3A_297 = arith.constant 0 : i32
      %dma_wait3A_298 = tpu.memref_slice %arg6[%dma_wait3A_295, %dma_wait3A_296, %dma_wait3A_297] : memref<8x32x128xf32, #tpu.memory_space<vmem>> -> memref<1x32x128xf32, #tpu.memory_space<vmem>>
      %dma_wait3A_299 = tpu.memref_squeeze %dma_wait3A_298 : memref<1x32x128xf32, #tpu.memory_space<vmem>> -> memref<32x128xf32, #tpu.memory_space<vmem>>
      %dma_wait3A_300 = arith.constant 0 : i32
      %dma_wait3A_301 = arith.constant 0 : i32
      %dma_wait3A_302 = tpu.memref_slice %arg2[%dma_wait3A_300, %dma_wait3A_301] : memref<32x1000000xf32, #tpu.memory_space<hbm>> -> memref<32x128xf32, #tpu.memory_space<hbm>>
      %dma_wait3A_303 = arith.constant 0 : i32
      %dma_wait3A_304 = arith.constant 0 : i32
      %dma_wait3A_305 = tpu.memref_slice %arg6[%dma_wait3A_295, %dma_wait3A_303, %dma_wait3A_304] : memref<8x32x128xf32, #tpu.memory_space<vmem>> -> memref<1x32x128xf32, #tpu.memory_space<vmem>>
      %dma_wait3A_306 = tpu.memref_squeeze %dma_wait3A_305 : memref<1x32x128xf32, #tpu.memory_space<vmem>> -> memref<32x128xf32, #tpu.memory_space<vmem>>
      %dma_wait3A_307 = arith.constant 0 : i32
      %dma_wait3A_308 = arith.constant 0 : i32
      %dma_wait3A_309 = tpu.memref_slice %arg2[%dma_wait3A_307, %dma_wait3A_308] : memref<32x1000000xf32, #tpu.memory_space<hbm>> -> memref<32x128xf32, #tpu.memory_space<hbm>>
      tpu.wait_dma2 semaphore(%arg9 : memref<!tpu.dma_semaphore, #tpu.memory_space<semaphore_mem>>) src(%dma_wait3A_309 : memref<32x128xf32, #tpu.memory_space<hbm>>) dst(%dma_wait3A_306 : memref<32x128xf32, #tpu.memory_space<vmem>>)
      %dma_wait3A_310 = arith.constant 2 : i32
      %dma_wait3A_311 = arith.constant 0 : i32
      %dma_wait3A_312 = arith.constant 0 : i32
      %dma_wait3A_313 = tpu.memref_slice %arg6[%dma_wait3A_310, %dma_wait3A_311, %dma_wait3A_312] : memref<8x32x128xf32, #tpu.memory_space<vmem>> -> memref<1x32x128xf32, #tpu.memory_space<vmem>>
      %dma_wait3A_314 = tpu.memref_squeeze %dma_wait3A_313 : memref<1x32x128xf32, #tpu.memory_space<vmem>> -> memref<32x128xf32, #tpu.memory_space<vmem>>
      %dma_wait3A_315 = arith.constant 0 : i32
      %dma_wait3A_316 = arith.constant 0 : i32
      %dma_wait3A_317 = tpu.memref_slice %arg2[%dma_wait3A_315, %dma_wait3A_316] : memref<32x1000000xf32, #tpu.memory_space<hbm>> -> memref<32x128xf32, #tpu.memory_space<hbm>>
      %dma_wait3A_318 = arith.constant 0 : i32
      %dma_wait3A_319 = arith.constant 0 : i32
      %dma_wait3A_320 = tpu.memref_slice %arg6[%dma_wait3A_310, %dma_wait3A_318, %dma_wait3A_319] : memref<8x32x128xf32, #tpu.memory_space<vmem>> -> memref<1x32x128xf32, #tpu.memory_space<vmem>>
      %dma_wait3A_321 = tpu.memref_squeeze %dma_wait3A_320 : memref<1x32x128xf32, #tpu.memory_space<vmem>> -> memref<32x128xf32, #tpu.memory_space<vmem>>
      %dma_wait3A_322 = arith.constant 0 : i32
      %dma_wait3A_323 = arith.constant 0 : i32
      %dma_wait3A_324 = tpu.memref_slice %arg2[%dma_wait3A_322, %dma_wait3A_323] : memref<32x1000000xf32, #tpu.memory_space<hbm>> -> memref<32x128xf32, #tpu.memory_space<hbm>>
      tpu.wait_dma2 semaphore(%arg9 : memref<!tpu.dma_semaphore, #tpu.memory_space<semaphore_mem>>) src(%dma_wait3A_324 : memref<32x128xf32, #tpu.memory_space<hbm>>) dst(%dma_wait3A_321 : memref<32x128xf32, #tpu.memory_space<vmem>>)
      %dma_wait3A_325 = arith.constant 3 : i32
      %dma_wait3A_326 = arith.constant 0 : i32
      %dma_wait3A_327 = arith.constant 0 : i32
      %dma_wait3A_328 = tpu.memref_slice %arg6[%dma_wait3A_325, %dma_wait3A_326, %dma_wait3A_327] : memref<8x32x128xf32, #tpu.memory_space<vmem>> -> memref<1x32x128xf32, #tpu.memory_space<vmem>>
      %dma_wait3A_329 = tpu.memref_squeeze %dma_wait3A_328 : memref<1x32x128xf32, #tpu.memory_space<vmem>> -> memref<32x128xf32, #tpu.memory_space<vmem>>
      %dma_wait3A_330 = arith.constant 0 : i32
      %dma_wait3A_331 = arith.constant 0 : i32
      %dma_wait3A_332 = tpu.memref_slice %arg2[%dma_wait3A_330, %dma_wait3A_331] : memref<32x1000000xf32, #tpu.memory_space<hbm>> -> memref<32x128xf32, #tpu.memory_space<hbm>>
      %dma_wait3A_333 = arith.constant 0 : i32
      %dma_wait3A_334 = arith.constant 0 : i32
      %dma_wait3A_335 = tpu.memref_slice %arg6[%dma_wait3A_325, %dma_wait3A_333, %dma_wait3A_334] : memref<8x32x128xf32, #tpu.memory_space<vmem>> -> memref<1x32x128xf32, #tpu.memory_space<vmem>>
      %dma_wait3A_336 = tpu.memref_squeeze %dma_wait3A_335 : memref<1x32x128xf32, #tpu.memory_space<vmem>> -> memref<32x128xf32, #tpu.memory_space<vmem>>
      %dma_wait3A_337 = arith.constant 0 : i32
      %dma_wait3A_338 = arith.constant 0 : i32
      %dma_wait3A_339 = tpu.memref_slice %arg2[%dma_wait3A_337, %dma_wait3A_338] : memref<32x1000000xf32, #tpu.memory_space<hbm>> -> memref<32x128xf32, #tpu.memory_space<hbm>>
      tpu.wait_dma2 semaphore(%arg9 : memref<!tpu.dma_semaphore, #tpu.memory_space<semaphore_mem>>) src(%dma_wait3A_339 : memref<32x128xf32, #tpu.memory_space<hbm>>) dst(%dma_wait3A_336 : memref<32x128xf32, #tpu.memory_space<vmem>>)
      %dma_wait3A_340 = arith.constant 4 : i32
      %dma_wait3A_341 = arith.constant 0 : i32
      %dma_wait3A_342 = arith.constant 0 : i32
      %dma_wait3A_343 = tpu.memref_slice %arg6[%dma_wait3A_340, %dma_wait3A_341, %dma_wait3A_342] : memref<8x32x128xf32, #tpu.memory_space<vmem>> -> memref<1x32x128xf32, #tpu.memory_space<vmem>>
      %dma_wait3A_344 = tpu.memref_squeeze %dma_wait3A_343 : memref<1x32x128xf32, #tpu.memory_space<vmem>> -> memref<32x128xf32, #tpu.memory_space<vmem>>
      %dma_wait3A_345 = arith.constant 0 : i32
      %dma_wait3A_346 = arith.constant 0 : i32
      %dma_wait3A_347 = tpu.memref_slice %arg2[%dma_wait3A_345, %dma_wait3A_346] : memref<32x1000000xf32, #tpu.memory_space<hbm>> -> memref<32x128xf32, #tpu.memory_space<hbm>>
      %dma_wait3A_348 = arith.constant 0 : i32
      %dma_wait3A_349 = arith.constant 0 : i32
      %dma_wait3A_350 = tpu.memref_slice %arg6[%dma_wait3A_340, %dma_wait3A_348, %dma_wait3A_349] : memref<8x32x128xf32, #tpu.memory_space<vmem>> -> memref<1x32x128xf32, #tpu.memory_space<vmem>>
      %dma_wait3A_351 = tpu.memref_squeeze %dma_wait3A_350 : memref<1x32x128xf32, #tpu.memory_space<vmem>> -> memref<32x128xf32, #tpu.memory_space<vmem>>
      %dma_wait3A_352 = arith.constant 0 : i32
      %dma_wait3A_353 = arith.constant 0 : i32
      %dma_wait3A_354 = tpu.memref_slice %arg2[%dma_wait3A_352, %dma_wait3A_353] : memref<32x1000000xf32, #tpu.memory_space<hbm>> -> memref<32x128xf32, #tpu.memory_space<hbm>>
      tpu.wait_dma2 semaphore(%arg9 : memref<!tpu.dma_semaphore, #tpu.memory_space<semaphore_mem>>) src(%dma_wait3A_354 : memref<32x128xf32, #tpu.memory_space<hbm>>) dst(%dma_wait3A_351 : memref<32x128xf32, #tpu.memory_space<vmem>>)
      %dma_wait3A_355 = arith.constant 5 : i32
      %dma_wait3A_356 = arith.constant 0 : i32
      %dma_wait3A_357 = arith.constant 0 : i32
      %dma_wait3A_358 = tpu.memref_slice %arg6[%dma_wait3A_355, %dma_wait3A_356, %dma_wait3A_357] : memref<8x32x128xf32, #tpu.memory_space<vmem>> -> memref<1x32x128xf32, #tpu.memory_space<vmem>>
      %dma_wait3A_359 = tpu.memref_squeeze %dma_wait3A_358 : memref<1x32x128xf32, #tpu.memory_space<vmem>> -> memref<32x128xf32, #tpu.memory_space<vmem>>
      %dma_wait3A_360 = arith.constant 0 : i32
      %dma_wait3A_361 = arith.constant 0 : i32
      %dma_wait3A_362 = tpu.memref_slice %arg2[%dma_wait3A_360, %dma_wait3A_361] : memref<32x1000000xf32, #tpu.memory_space<hbm>> -> memref<32x128xf32, #tpu.memory_space<hbm>>
      %dma_wait3A_363 = arith.constant 0 : i32
      %dma_wait3A_364 = arith.constant 0 : i32
      %dma_wait3A_365 = tpu.memref_slice %arg6[%dma_wait3A_355, %dma_wait3A_363, %dma_wait3A_364] : memref<8x32x128xf32, #tpu.memory_space<vmem>> -> memref<1x32x128xf32, #tpu.memory_space<vmem>>
      %dma_wait3A_366 = tpu.memref_squeeze %dma_wait3A_365 : memref<1x32x128xf32, #tpu.memory_space<vmem>> -> memref<32x128xf32, #tpu.memory_space<vmem>>
      %dma_wait3A_367 = arith.constant 0 : i32
      %dma_wait3A_368 = arith.constant 0 : i32
      %dma_wait3A_369 = tpu.memref_slice %arg2[%dma_wait3A_367, %dma_wait3A_368] : memref<32x1000000xf32, #tpu.memory_space<hbm>> -> memref<32x128xf32, #tpu.memory_space<hbm>>
      tpu.wait_dma2 semaphore(%arg9 : memref<!tpu.dma_semaphore, #tpu.memory_space<semaphore_mem>>) src(%dma_wait3A_369 : memref<32x128xf32, #tpu.memory_space<hbm>>) dst(%dma_wait3A_366 : memref<32x128xf32, #tpu.memory_space<vmem>>)
      %dma_wait3A_370 = arith.constant 6 : i32
      %dma_wait3A_371 = arith.constant 0 : i32
      %dma_wait3A_372 = arith.constant 0 : i32
      %dma_wait3A_373 = tpu.memref_slice %arg6[%dma_wait3A_370, %dma_wait3A_371, %dma_wait3A_372] : memref<8x32x128xf32, #tpu.memory_space<vmem>> -> memref<1x32x128xf32, #tpu.memory_space<vmem>>
      %dma_wait3A_374 = tpu.memref_squeeze %dma_wait3A_373 : memref<1x32x128xf32, #tpu.memory_space<vmem>> -> memref<32x128xf32, #tpu.memory_space<vmem>>
      %dma_wait3A_375 = arith.constant 0 : i32
      %dma_wait3A_376 = arith.constant 0 : i32
      %dma_wait3A_377 = tpu.memref_slice %arg2[%dma_wait3A_375, %dma_wait3A_376] : memref<32x1000000xf32, #tpu.memory_space<hbm>> -> memref<32x128xf32, #tpu.memory_space<hbm>>
      %dma_wait3A_378 = arith.constant 0 : i32
      %dma_wait3A_379 = arith.constant 0 : i32
      %dma_wait3A_380 = tpu.memref_slice %arg6[%dma_wait3A_370, %dma_wait3A_378, %dma_wait3A_379] : memref<8x32x128xf32, #tpu.memory_space<vmem>> -> memref<1x32x128xf32, #tpu.memory_space<vmem>>
      %dma_wait3A_381 = tpu.memref_squeeze %dma_wait3A_380 : memref<1x32x128xf32, #tpu.memory_space<vmem>> -> memref<32x128xf32, #tpu.memory_space<vmem>>
      %dma_wait3A_382 = arith.constant 0 : i32
      %dma_wait3A_383 = arith.constant 0 : i32
      %dma_wait3A_384 = tpu.memref_slice %arg2[%dma_wait3A_382, %dma_wait3A_383] : memref<32x1000000xf32, #tpu.memory_space<hbm>> -> memref<32x128xf32, #tpu.memory_space<hbm>>
      tpu.wait_dma2 semaphore(%arg9 : memref<!tpu.dma_semaphore, #tpu.memory_space<semaphore_mem>>) src(%dma_wait3A_384 : memref<32x128xf32, #tpu.memory_space<hbm>>) dst(%dma_wait3A_381 : memref<32x128xf32, #tpu.memory_space<vmem>>)
      %dma_wait3A_385 = arith.constant 7 : i32
      %dma_wait3A_386 = arith.constant 0 : i32
      %dma_wait3A_387 = arith.constant 0 : i32
      %dma_wait3A_388 = tpu.memref_slice %arg6[%dma_wait3A_385, %dma_wait3A_386, %dma_wait3A_387] : memref<8x32x128xf32, #tpu.memory_space<vmem>> -> memref<1x32x128xf32, #tpu.memory_space<vmem>>
      %dma_wait3A_389 = tpu.memref_squeeze %dma_wait3A_388 : memref<1x32x128xf32, #tpu.memory_space<vmem>> -> memref<32x128xf32, #tpu.memory_space<vmem>>
      %dma_wait3A_390 = arith.constant 0 : i32
      %dma_wait3A_391 = arith.constant 0 : i32
      %dma_wait3A_392 = tpu.memref_slice %arg2[%dma_wait3A_390, %dma_wait3A_391] : memref<32x1000000xf32, #tpu.memory_space<hbm>> -> memref<32x128xf32, #tpu.memory_space<hbm>>
      %dma_wait3A_393 = arith.constant 0 : i32
      %dma_wait3A_394 = arith.constant 0 : i32
      %dma_wait3A_395 = tpu.memref_slice %arg6[%dma_wait3A_385, %dma_wait3A_393, %dma_wait3A_394] : memref<8x32x128xf32, #tpu.memory_space<vmem>> -> memref<1x32x128xf32, #tpu.memory_space<vmem>>
      %dma_wait3A_396 = tpu.memref_squeeze %dma_wait3A_395 : memref<1x32x128xf32, #tpu.memory_space<vmem>> -> memref<32x128xf32, #tpu.memory_space<vmem>>
      %dma_wait3A_397 = arith.constant 0 : i32
      %dma_wait3A_398 = arith.constant 0 : i32
      %dma_wait3A_399 = tpu.memref_slice %arg2[%dma_wait3A_397, %dma_wait3A_398] : memref<32x1000000xf32, #tpu.memory_space<hbm>> -> memref<32x128xf32, #tpu.memory_space<hbm>>
      tpu.wait_dma2 semaphore(%arg9 : memref<!tpu.dma_semaphore, #tpu.memory_space<semaphore_mem>>) src(%dma_wait3A_399 : memref<32x128xf32, #tpu.memory_space<hbm>>) dst(%dma_wait3A_396 : memref<32x128xf32, #tpu.memory_space<vmem>>)
      %slice3A_400 = vector.extract_strided_slice %and3A_278 {offsets = [0], sizes = [1], strides = [1]} : vector<16xi32> to vector<1xi32>
      %squeeze3A_401 = vector.extract %slice3A_400[0] : i32 from vector<1xi32>
      %broadcast_in_dim3A = vector.broadcast %squeeze3A_401 : i32 to vector<16xi32>
      %gather3A = arith.constant 0 : i32
      %gather3A_402 = arith.constant 0 : i32
      %gather3A_403 = arith.constant 0 : i32
      %gather3A_404 = tpu.memref_slice %arg6[%gather3A, %gather3A_402, %gather3A_403] : memref<8x32x128xf32, #tpu.memory_space<vmem>> -> memref<1x32x128xf32, #tpu.memory_space<vmem>>
      %gather3A_405 = tpu.memref_squeeze %gather3A_404 : memref<1x32x128xf32, #tpu.memory_space<vmem>> -> memref<32x128xf32, #tpu.memory_space<vmem>>
      %gather3A_406 = tpu.vector_load_idx %gather3A_405[%iota3A, %broadcast_in_dim3A] : memref<32x128xf32, #tpu.memory_space<vmem>>[vector<16xi32>, vector<16xi32>], vector<16xf32>,
      %gather3A_407 = arith.constant 0 : i32
      %gather3A_408 = arith.constant 0 : i32
      %gather3A_409 = arith.constant 0 : i32
      %gather3A_410 = tpu.memref_slice %arg6[%gather3A_407, %gather3A_408, %gather3A_409] : memref<8x32x128xf32, #tpu.memory_space<vmem>> -> memref<1x32x128xf32, #tpu.memory_space<vmem>>
      %gather3A_411 = tpu.memref_squeeze %gather3A_410 : memref<1x32x128xf32, #tpu.memory_space<vmem>> -> memref<32x128xf32, #tpu.memory_space<vmem>>
      %gather3A_412 = tpu.vector_load_idx %gather3A_411[%add3A_5, %broadcast_in_dim3A] : memref<32x128xf32, #tpu.memory_space<vmem>>[vector<16xi32>, vector<16xi32>], vector<16xf32>,
      %add3A_413 = arith.constant 0 : i32
      %add3A_414 = arith.addi %mul3A_280, %add3A_413 : i32
      %mul3A_415 = arith.constant 32 : i32
      %mul3A_416 = arith.muli %add3A_414, %mul3A_415 : i32
      %swap3A = arith.index_cast %mul3A_416 : i32 to index
      %swap3A_417 = tpu.vector_load %arg8[%swap3A] {strides = array<i32>} : memref<16384xf32, #tpu.memory_space<vmem>>, vector<16xf32>,
      tpu.vector_store %arg8[%swap3A], %gather3A_406 {strides = array<i32>} : memref<16384xf32, #tpu.memory_space<vmem>>, vector<16xf32>,
      %mul3A_418 = arith.constant 32 : i32
      %mul3A_419 = arith.muli %add3A_414, %mul3A_418 : i32
      %add3A_420 = arith.constant 16 : i32
      %add3A_421 = arith.addi %mul3A_419, %add3A_420 : i32
      %swap3A_422 = arith.index_cast %add3A_421 : i32 to index
      %swap3A_423 = tpu.vector_load %arg8[%swap3A_422] {strides = array<i32>} : memref<16384xf32, #tpu.memory_space<vmem>>, vector<16xf32>,
      tpu.vector_store %arg8[%swap3A_422], %gather3A_412 {strides = array<i32>} : memref<16384xf32, #tpu.memory_space<vmem>>, vector<16xf32>,
      %slice3A_424 = vector.extract_strided_slice %and3A_278 {offsets = [1], sizes = [1], strides = [1]} : vector<16xi32> to vector<1xi32>
      %squeeze3A_425 = vector.extract %slice3A_424[0] : i32 from vector<1xi32>
      %broadcast_in_dim3A_426 = vector.broadcast %squeeze3A_425 : i32 to vector<16xi32>
      %gather3A_427 = arith.constant 1 : i32
      %gather3A_428 = arith.constant 0 : i32
      %gather3A_429 = arith.constant 0 : i32
      %gather3A_430 = tpu.memref_slice %arg6[%gather3A_427, %gather3A_428, %gather3A_429] : memref<8x32x128xf32, #tpu.memory_space<vmem>> -> memref<1x32x128xf32, #tpu.memory_space<vmem>>
      %gather3A_431 = tpu.memref_squeeze %gather3A_430 : memref<1x32x128xf32, #tpu.memory_space<vmem>> -> memref<32x128xf32, #tpu.memory_space<vmem>>
      %gather3A_432 = tpu.vector_load_idx %gather3A_431[%iota3A, %broadcast_in_dim3A_426] : memref<32x128xf32, #tpu.memory_space<vmem>>[vector<16xi32>, vector<16xi32>], vector<16xf32>,
      %gather3A_433 = arith.constant 1 : i32
      %gather3A_434 = arith.constant 0 : i32
      %gather3A_435 = arith.constant 0 : i32
      %gather3A_436 = tpu.memref_slice %arg6[%gather3A_433, %gather3A_434, %gather3A_435] : memref<8x32x128xf32, #tpu.memory_space<vmem>> -> memref<1x32x128xf32, #tpu.memory_space<vmem>>
      %gather3A_437 = tpu.memref_squeeze %gather3A_436 : memref<1x32x128xf32, #tpu.memory_space<vmem>> -> memref<32x128xf32, #tpu.memory_space<vmem>>
      %gather3A_438 = tpu.vector_load_idx %gather3A_437[%add3A_5, %broadcast_in_dim3A_426] : memref<32x128xf32, #tpu.memory_space<vmem>>[vector<16xi32>, vector<16xi32>], vector<16xf32>,
      %add3A_439 = arith.constant 1 : i32
      %add3A_440 = arith.addi %mul3A_280, %add3A_439 : i32
      %mul3A_441 = arith.constant 32 : i32
      %mul3A_442 = arith.muli %add3A_440, %mul3A_441 : i32
      %swap3A_443 = arith.index_cast %mul3A_442 : i32 to index
      %swap3A_444 = tpu.vector_load %arg8[%swap3A_443] {strides = array<i32>} : memref<16384xf32, #tpu.memory_space<vmem>>, vector<16xf32>,
      tpu.vector_store %arg8[%swap3A_443], %gather3A_432 {strides = array<i32>} : memref<16384xf32, #tpu.memory_space<vmem>>, vector<16xf32>,
      %mul3A_445 = arith.constant 32 : i32
      %mul3A_446 = arith.muli %add3A_440, %mul3A_445 : i32
      %add3A_447 = arith.constant 16 : i32
      %add3A_448 = arith.addi %mul3A_446, %add3A_447 : i32
      %swap3A_449 = arith.index_cast %add3A_448 : i32 to index
      %swap3A_450 = tpu.vector_load %arg8[%swap3A_449] {strides = array<i32>} : memref<16384xf32, #tpu.memory_space<vmem>>, vector<16xf32>,
      tpu.vector_store %arg8[%swap3A_449], %gather3A_438 {strides = array<i32>} : memref<16384xf32, #tpu.memory_space<vmem>>, vector<16xf32>,
      %slice3A_451 = vector.extract_strided_slice %and3A_278 {offsets = [2], sizes = [1], strides = [1]} : vector<16xi32> to vector<1xi32>
      %squeeze3A_452 = vector.extract %slice3A_451[0] : i32 from vector<1xi32>
      %broadcast_in_dim3A_453 = vector.broadcast %squeeze3A_452 : i32 to vector<16xi32>
      %gather3A_454 = arith.constant 2 : i32
      %gather3A_455 = arith.constant 0 : i32
      %gather3A_456 = arith.constant 0 : i32
      %gather3A_457 = tpu.memref_slice %arg6[%gather3A_454, %gather3A_455, %gather3A_456] : memref<8x32x128xf32, #tpu.memory_space<vmem>> -> memref<1x32x128xf32, #tpu.memory_space<vmem>>
      %gather3A_458 = tpu.memref_squeeze %gather3A_457 : memref<1x32x128xf32, #tpu.memory_space<vmem>> -> memref<32x128xf32, #tpu.memory_space<vmem>>
      %gather3A_459 = tpu.vector_load_idx %gather3A_458[%iota3A, %broadcast_in_dim3A_453] : memref<32x128xf32, #tpu.memory_space<vmem>>[vector<16xi32>, vector<16xi32>], vector<16xf32>,
      %gather3A_460 = arith.constant 2 : i32
      %gather3A_461 = arith.constant 0 : i32
      %gather3A_462 = arith.constant 0 : i32
      %gather3A_463 = tpu.memref_slice %arg6[%gather3A_460, %gather3A_461, %gather3A_462] : memref<8x32x128xf32, #tpu.memory_space<vmem>> -> memref<1x32x128xf32, #tpu.memory_space<vmem>>
      %gather3A_464 = tpu.memref_squeeze %gather3A_463 : memref<1x32x128xf32, #tpu.memory_space<vmem>> -> memref<32x128xf32, #tpu.memory_space<vmem>>
      %gather3A_465 = tpu.vector_load_idx %gather3A_464[%add3A_5, %broadcast_in_dim3A_453] : memref<32x128xf32, #tpu.memory_space<vmem>>[vector<16xi32>, vector<16xi32>], vector<16xf32>,
      %add3A_466 = arith.constant 2 : i32
      %add3A_467 = arith.addi %mul3A_280, %add3A_466 : i32
      %mul3A_468 = arith.constant 32 : i32
      %mul3A_469 = arith.muli %add3A_467, %mul3A_468 : i32
      %swap3A_470 = arith.index_cast %mul3A_469 : i32 to index
      %swap3A_471 = tpu.vector_load %arg8[%swap3A_470] {strides = array<i32>} : memref<16384xf32, #tpu.memory_space<vmem>>, vector<16xf32>,
      tpu.vector_store %arg8[%swap3A_470], %gather3A_459 {strides = array<i32>} : memref<16384xf32, #tpu.memory_space<vmem>>, vector<16xf32>,
      %mul3A_472 = arith.constant 32 : i32
      %mul3A_473 = arith.muli %add3A_467, %mul3A_472 : i32
      %add3A_474 = arith.constant 16 : i32
      %add3A_475 = arith.addi %mul3A_473, %add3A_474 : i32
      %swap3A_476 = arith.index_cast %add3A_475 : i32 to index
      %swap3A_477 = tpu.vector_load %arg8[%swap3A_476] {strides = array<i32>} : memref<16384xf32, #tpu.memory_space<vmem>>, vector<16xf32>,
      tpu.vector_store %arg8[%swap3A_476], %gather3A_465 {strides = array<i32>} : memref<16384xf32, #tpu.memory_space<vmem>>, vector<16xf32>,
      %slice3A_478 = vector.extract_strided_slice %and3A_278 {offsets = [3], sizes = [1], strides = [1]} : vector<16xi32> to vector<1xi32>
      %squeeze3A_479 = vector.extract %slice3A_478[0] : i32 from vector<1xi32>
      %broadcast_in_dim3A_480 = vector.broadcast %squeeze3A_479 : i32 to vector<16xi32>
      %gather3A_481 = arith.constant 3 : i32
      %gather3A_482 = arith.constant 0 : i32
      %gather3A_483 = arith.constant 0 : i32
      %gather3A_484 = tpu.memref_slice %arg6[%gather3A_481, %gather3A_482, %gather3A_483] : memref<8x32x128xf32, #tpu.memory_space<vmem>> -> memref<1x32x128xf32, #tpu.memory_space<vmem>>
      %gather3A_485 = tpu.memref_squeeze %gather3A_484 : memref<1x32x128xf32, #tpu.memory_space<vmem>> -> memref<32x128xf32, #tpu.memory_space<vmem>>
      %gather3A_486 = tpu.vector_load_idx %gather3A_485[%iota3A, %broadcast_in_dim3A_480] : memref<32x128xf32, #tpu.memory_space<vmem>>[vector<16xi32>, vector<16xi32>], vector<16xf32>,
      %gather3A_487 = arith.constant 3 : i32
      %gather3A_488 = arith.constant 0 : i32
      %gather3A_489 = arith.constant 0 : i32
      %gather3A_490 = tpu.memref_slice %arg6[%gather3A_487, %gather3A_488, %gather3A_489] : memref<8x32x128xf32, #tpu.memory_space<vmem>> -> memref<1x32x128xf32, #tpu.memory_space<vmem>>
      %gather3A_491 = tpu.memref_squeeze %gather3A_490 : memref<1x32x128xf32, #tpu.memory_space<vmem>> -> memref<32x128xf32, #tpu.memory_space<vmem>>
      %gather3A_492 = tpu.vector_load_idx %gather3A_491[%add3A_5, %broadcast_in_dim3A_480] : memref<32x128xf32, #tpu.memory_space<vmem>>[vector<16xi32>, vector<16xi32>], vector<16xf32>,
      %add3A_493 = arith.constant 3 : i32
      %add3A_494 = arith.addi %mul3A_280, %add3A_493 : i32
      %mul3A_495 = arith.constant 32 : i32
      %mul3A_496 = arith.muli %add3A_494, %mul3A_495 : i32
      %swap3A_497 = arith.index_cast %mul3A_496 : i32 to index
      %swap3A_498 = tpu.vector_load %arg8[%swap3A_497] {strides = array<i32>} : memref<16384xf32, #tpu.memory_space<vmem>>, vector<16xf32>,
      tpu.vector_store %arg8[%swap3A_497], %gather3A_486 {strides = array<i32>} : memref<16384xf32, #tpu.memory_space<vmem>>, vector<16xf32>,
      %mul3A_499 = arith.constant 32 : i32
      %mul3A_500 = arith.muli %add3A_494, %mul3A_499 : i32
      %add3A_501 = arith.constant 16 : i32
      %add3A_502 = arith.addi %mul3A_500, %add3A_501 : i32
      %swap3A_503 = arith.index_cast %add3A_502 : i32 to index
      %swap3A_504 = tpu.vector_load %arg8[%swap3A_503] {strides = array<i32>} : memref<16384xf32, #tpu.memory_space<vmem>>, vector<16xf32>,
      tpu.vector_store %arg8[%swap3A_503], %gather3A_492 {strides = array<i32>} : memref<16384xf32, #tpu.memory_space<vmem>>, vector<16xf32>,
      %slice3A_505 = vector.extract_strided_slice %and3A_278 {offsets = [4], sizes = [1], strides = [1]} : vector<16xi32> to vector<1xi32>
      %squeeze3A_506 = vector.extract %slice3A_505[0] : i32 from vector<1xi32>
      %broadcast_in_dim3A_507 = vector.broadcast %squeeze3A_506 : i32 to vector<16xi32>
      %gather3A_508 = arith.constant 4 : i32
      %gather3A_509 = arith.constant 0 : i32
      %gather3A_510 = arith.constant 0 : i32
      %gather3A_511 = tpu.memref_slice %arg6[%gather3A_508, %gather3A_509, %gather3A_510] : memref<8x32x128xf32, #tpu.memory_space<vmem>> -> memref<1x32x128xf32, #tpu.memory_space<vmem>>
      %gather3A_512 = tpu.memref_squeeze %gather3A_511 : memref<1x32x128xf32, #tpu.memory_space<vmem>> -> memref<32x128xf32, #tpu.memory_space<vmem>>
      %gather3A_513 = tpu.vector_load_idx %gather3A_512[%iota3A, %broadcast_in_dim3A_507] : memref<32x128xf32, #tpu.memory_space<vmem>>[vector<16xi32>, vector<16xi32>], vector<16xf32>,
      %gather3A_514 = arith.constant 4 : i32
      %gather3A_515 = arith.constant 0 : i32
      %gather3A_516 = arith.constant 0 : i32
      %gather3A_517 = tpu.memref_slice %arg6[%gather3A_514, %gather3A_515, %gather3A_516] : memref<8x32x128xf32, #tpu.memory_space<vmem>> -> memref<1x32x128xf32, #tpu.memory_space<vmem>>
      %gather3A_518 = tpu.memref_squeeze %gather3A_517 : memref<1x32x128xf32, #tpu.memory_space<vmem>> -> memref<32x128xf32, #tpu.memory_space<vmem>>
      %gather3A_519 = tpu.vector_load_idx %gather3A_518[%add3A_5, %broadcast_in_dim3A_507] : memref<32x128xf32, #tpu.memory_space<vmem>>[vector<16xi32>, vector<16xi32>], vector<16xf32>,
      %add3A_520 = arith.constant 4 : i32
      %add3A_521 = arith.addi %mul3A_280, %add3A_520 : i32
      %mul3A_522 = arith.constant 32 : i32
      %mul3A_523 = arith.muli %add3A_521, %mul3A_522 : i32
      %swap3A_524 = arith.index_cast %mul3A_523 : i32 to index
      %swap3A_525 = tpu.vector_load %arg8[%swap3A_524] {strides = array<i32>} : memref<16384xf32, #tpu.memory_space<vmem>>, vector<16xf32>,
      tpu.vector_store %arg8[%swap3A_524], %gather3A_513 {strides = array<i32>} : memref<16384xf32, #tpu.memory_space<vmem>>, vector<16xf32>,
      %mul3A_526 = arith.constant 32 : i32
      %mul3A_527 = arith.muli %add3A_521, %mul3A_526 : i32
      %add3A_528 = arith.constant 16 : i32
      %add3A_529 = arith.addi %mul3A_527, %add3A_528 : i32
      %swap3A_530 = arith.index_cast %add3A_529 : i32 to index
      %swap3A_531 = tpu.vector_load %arg8[%swap3A_530] {strides = array<i32>} : memref<16384xf32, #tpu.memory_space<vmem>>, vector<16xf32>,
      tpu.vector_store %arg8[%swap3A_530], %gather3A_519 {strides = array<i32>} : memref<16384xf32, #tpu.memory_space<vmem>>, vector<16xf32>,
      %slice3A_532 = vector.extract_strided_slice %and3A_278 {offsets = [5], sizes = [1], strides = [1]} : vector<16xi32> to vector<1xi32>
      %squeeze3A_533 = vector.extract %slice3A_532[0] : i32 from vector<1xi32>
      %broadcast_in_dim3A_534 = vector.broadcast %squeeze3A_533 : i32 to vector<16xi32>
      %gather3A_535 = arith.constant 5 : i32
      %gather3A_536 = arith.constant 0 : i32
      %gather3A_537 = arith.constant 0 : i32
      %gather3A_538 = tpu.memref_slice %arg6[%gather3A_535, %gather3A_536, %gather3A_537] : memref<8x32x128xf32, #tpu.memory_space<vmem>> -> memref<1x32x128xf32, #tpu.memory_space<vmem>>
      %gather3A_539 = tpu.memref_squeeze %gather3A_538 : memref<1x32x128xf32, #tpu.memory_space<vmem>> -> memref<32x128xf32, #tpu.memory_space<vmem>>
      %gather3A_540 = tpu.vector_load_idx %gather3A_539[%iota3A, %broadcast_in_dim3A_534] : memref<32x128xf32, #tpu.memory_space<vmem>>[vector<16xi32>, vector<16xi32>], vector<16xf32>,
      %gather3A_541 = arith.constant 5 : i32
      %gather3A_542 = arith.constant 0 : i32
      %gather3A_543 = arith.constant 0 : i32
      %gather3A_544 = tpu.memref_slice %arg6[%gather3A_541, %gather3A_542, %gather3A_543] : memref<8x32x128xf32, #tpu.memory_space<vmem>> -> memref<1x32x128xf32, #tpu.memory_space<vmem>>
      %gather3A_545 = tpu.memref_squeeze %gather3A_544 : memref<1x32x128xf32, #tpu.memory_space<vmem>> -> memref<32x128xf32, #tpu.memory_space<vmem>>
      %gather3A_546 = tpu.vector_load_idx %gather3A_545[%add3A_5, %broadcast_in_dim3A_534] : memref<32x128xf32, #tpu.memory_space<vmem>>[vector<16xi32>, vector<16xi32>], vector<16xf32>,
      %add3A_547 = arith.constant 5 : i32
      %add3A_548 = arith.addi %mul3A_280, %add3A_547 : i32
      %mul3A_549 = arith.constant 32 : i32
      %mul3A_550 = arith.muli %add3A_548, %mul3A_549 : i32
      %swap3A_551 = arith.index_cast %mul3A_550 : i32 to index
      %swap3A_552 = tpu.vector_load %arg8[%swap3A_551] {strides = array<i32>} : memref<16384xf32, #tpu.memory_space<vmem>>, vector<16xf32>,
      tpu.vector_store %arg8[%swap3A_551], %gather3A_540 {strides = array<i32>} : memref<16384xf32, #tpu.memory_space<vmem>>, vector<16xf32>,
      %mul3A_553 = arith.constant 32 : i32
      %mul3A_554 = arith.muli %add3A_548, %mul3A_553 : i32
      %add3A_555 = arith.constant 16 : i32
      %add3A_556 = arith.addi %mul3A_554, %add3A_555 : i32
      %swap3A_557 = arith.index_cast %add3A_556 : i32 to index
      %swap3A_558 = tpu.vector_load %arg8[%swap3A_557] {strides = array<i32>} : memref<16384xf32, #tpu.memory_space<vmem>>, vector<16xf32>,
      tpu.vector_store %arg8[%swap3A_557], %gather3A_546 {strides = array<i32>} : memref<16384xf32, #tpu.memory_space<vmem>>, vector<16xf32>,
      %slice3A_559 = vector.extract_strided_slice %and3A_278 {offsets = [6], sizes = [1], strides = [1]} : vector<16xi32> to vector<1xi32>
      %squeeze3A_560 = vector.extract %slice3A_559[0] : i32 from vector<1xi32>
      %broadcast_in_dim3A_561 = vector.broadcast %squeeze3A_560 : i32 to vector<16xi32>
      %gather3A_562 = arith.constant 6 : i32
      %gather3A_563 = arith.constant 0 : i32
      %gather3A_564 = arith.constant 0 : i32
      %gather3A_565 = tpu.memref_slice %arg6[%gather3A_562, %gather3A_563, %gather3A_564] : memref<8x32x128xf32, #tpu.memory_space<vmem>> -> memref<1x32x128xf32, #tpu.memory_space<vmem>>
      %gather3A_566 = tpu.memref_squeeze %gather3A_565 : memref<1x32x128xf32, #tpu.memory_space<vmem>> -> memref<32x128xf32, #tpu.memory_space<vmem>>
      %gather3A_567 = tpu.vector_load_idx %gather3A_566[%iota3A, %broadcast_in_dim3A_561] : memref<32x128xf32, #tpu.memory_space<vmem>>[vector<16xi32>, vector<16xi32>], vector<16xf32>,
      %gather3A_568 = arith.constant 6 : i32
      %gather3A_569 = arith.constant 0 : i32
      %gather3A_570 = arith.constant 0 : i32
      %gather3A_571 = tpu.memref_slice %arg6[%gather3A_568, %gather3A_569, %gather3A_570] : memref<8x32x128xf32, #tpu.memory_space<vmem>> -> memref<1x32x128xf32, #tpu.memory_space<vmem>>
      %gather3A_572 = tpu.memref_squeeze %gather3A_571 : memref<1x32x128xf32, #tpu.memory_space<vmem>> -> memref<32x128xf32, #tpu.memory_space<vmem>>
      %gather3A_573 = tpu.vector_load_idx %gather3A_572[%add3A_5, %broadcast_in_dim3A_561] : memref<32x128xf32, #tpu.memory_space<vmem>>[vector<16xi32>, vector<16xi32>], vector<16xf32>,
      %add3A_574 = arith.constant 6 : i32
      %add3A_575 = arith.addi %mul3A_280, %add3A_574 : i32
      %mul3A_576 = arith.constant 32 : i32
      %mul3A_577 = arith.muli %add3A_575, %mul3A_576 : i32
      %swap3A_578 = arith.index_cast %mul3A_577 : i32 to index
      %swap3A_579 = tpu.vector_load %arg8[%swap3A_578] {strides = array<i32>} : memref<16384xf32, #tpu.memory_space<vmem>>, vector<16xf32>,
      tpu.vector_store %arg8[%swap3A_578], %gather3A_567 {strides = array<i32>} : memref<16384xf32, #tpu.memory_space<vmem>>, vector<16xf32>,
      %mul3A_580 = arith.constant 32 : i32
      %mul3A_581 = arith.muli %add3A_575, %mul3A_580 : i32
      %add3A_582 = arith.constant 16 : i32
      %add3A_583 = arith.addi %mul3A_581, %add3A_582 : i32
      %swap3A_584 = arith.index_cast %add3A_583 : i32 to index
      %swap3A_585 = tpu.vector_load %arg8[%swap3A_584] {strides = array<i32>} : memref<16384xf32, #tpu.memory_space<vmem>>, vector<16xf32>,
      tpu.vector_store %arg8[%swap3A_584], %gather3A_573 {strides = array<i32>} : memref<16384xf32, #tpu.memory_space<vmem>>, vector<16xf32>,
      %slice3A_586 = vector.extract_strided_slice %and3A_278 {offsets = [7], sizes = [1], strides = [1]} : vector<16xi32> to vector<1xi32>
      %squeeze3A_587 = vector.extract %slice3A_586[0] : i32 from vector<1xi32>
      %broadcast_in_dim3A_588 = vector.broadcast %squeeze3A_587 : i32 to vector<16xi32>
      %gather3A_589 = arith.constant 7 : i32
      %gather3A_590 = arith.constant 0 : i32
      %gather3A_591 = arith.constant 0 : i32
      %gather3A_592 = tpu.memref_slice %arg6[%gather3A_589, %gather3A_590, %gather3A_591] : memref<8x32x128xf32, #tpu.memory_space<vmem>> -> memref<1x32x128xf32, #tpu.memory_space<vmem>>
      %gather3A_593 = tpu.memref_squeeze %gather3A_592 : memref<1x32x128xf32, #tpu.memory_space<vmem>> -> memref<32x128xf32, #tpu.memory_space<vmem>>
      %gather3A_594 = tpu.vector_load_idx %gather3A_593[%iota3A, %broadcast_in_dim3A_588] : memref<32x128xf32, #tpu.memory_space<vmem>>[vector<16xi32>, vector<16xi32>], vector<16xf32>,
      %gather3A_595 = arith.constant 7 : i32
      %gather3A_596 = arith.constant 0 : i32
      %gather3A_597 = arith.constant 0 : i32
      %gather3A_598 = tpu.memref_slice %arg6[%gather3A_595, %gather3A_596, %gather3A_597] : memref<8x32x128xf32, #tpu.memory_space<vmem>> -> memref<1x32x128xf32, #tpu.memory_space<vmem>>
      %gather3A_599 = tpu.memref_squeeze %gather3A_598 : memref<1x32x128xf32, #tpu.memory_space<vmem>> -> memref<32x128xf32, #tpu.memory_space<vmem>>
      %gather3A_600 = tpu.vector_load_idx %gather3A_599[%add3A_5, %broadcast_in_dim3A_588] : memref<32x128xf32, #tpu.memory_space<vmem>>[vector<16xi32>, vector<16xi32>], vector<16xf32>,
      %add3A_601 = arith.constant 7 : i32
      %add3A_602 = arith.addi %mul3A_280, %add3A_601 : i32
      %mul3A_603 = arith.constant 32 : i32
      %mul3A_604 = arith.muli %add3A_602, %mul3A_603 : i32
      %swap3A_605 = arith.index_cast %mul3A_604 : i32 to index
      %swap3A_606 = tpu.vector_load %arg8[%swap3A_605] {strides = array<i32>} : memref<16384xf32, #tpu.memory_space<vmem>>, vector<16xf32>,
      tpu.vector_store %arg8[%swap3A_605], %gather3A_594 {strides = array<i32>} : memref<16384xf32, #tpu.memory_space<vmem>>, vector<16xf32>,
      %mul3A_607 = arith.constant 32 : i32
      %mul3A_608 = arith.muli %add3A_602, %mul3A_607 : i32
      %add3A_609 = arith.constant 16 : i32
      %add3A_610 = arith.addi %mul3A_608, %add3A_609 : i32
      %swap3A_611 = arith.index_cast %add3A_610 : i32 to index
      %swap3A_612 = tpu.vector_load %arg8[%swap3A_611] {strides = array<i32>} : memref<16384xf32, #tpu.memory_space<vmem>>, vector<16xf32>,
      tpu.vector_store %arg8[%swap3A_611], %gather3A_600 {strides = array<i32>} : memref<16384xf32, #tpu.memory_space<vmem>>, vector<16xf32>,
      %lt3A = arith.constant 31 : i32
      %lt3A_613 = arith.cmpi slt, %scan3A_272, %lt3A : i32
      %convert_element_type3A = arith.extui %lt3A_613 : i1 to i32
      %cond3A = arith.constant 0 : i32
      %cond3A_614 = arith.cmpi ne, %convert_element_type3A, %cond3A : i32
      scf.if %cond3A_614 {
        %add3A_960 = arith.constant 1 : i32
        %add3A_961 = arith.addi %scan3A_272, %add3A_960 : i32
        %mul3A_962 = arith.constant 16 : i32
        %mul3A_963 = arith.muli %add3A_961, %mul3A_962 : i32
        %get3A_964 = arith.index_cast %mul3A_963 : i32 to index
        %get3A_965 = tpu.vector_load %arg5[%get3A_964] {strides = array<i32>} : memref<512xi32, #tpu.memory_space<vmem>>, vector<16xi32>,
        %shift_right_logical3A_966 = arith.constant 7 : i32
        %shift_right_logical3A_967 = vector.broadcast %shift_right_logical3A_966 : i32 to vector<16xi32>
        %shift_right_logical3A_968 = arith.shrui %get3A_965, %shift_right_logical3A_967 : vector<16xi32>
        %shift_left3A_969 = arith.constant 7 : i32
        %shift_left3A_970 = vector.broadcast %shift_left3A_969 : i32 to vector<16xi32>
        %shift_left3A_971 = arith.shli %shift_right_logical3A_968, %shift_left3A_970 : vector<16xi32>
        %slice3A_972 = vector.extract_strided_slice %shift_left3A_971 {offsets = [0], sizes = [1], strides = [1]} : vector<16xi32> to vector<1xi32>
        %squeeze3A_973 = vector.extract %slice3A_972[0] : i32 from vector<1xi32>
        %multiple_of3A_974 = tpu.assume_multiple %squeeze3A_973, 128 : i32
        %dma_start3A_975 = arith.constant 0 : i32
        %dma_start3A_976 = arith.constant 0 : i32
        %dma_start3A_977 = arith.constant 0 : i32
        %dma_start3A_978 = tpu.memref_slice %arg6[%dma_start3A_975, %dma_start3A_976, %dma_start3A_977] : memref<8x32x128xf32, #tpu.memory_space<vmem>> -> memref<1x32x128xf32, #tpu.memory_space<vmem>>
        %dma_start3A_979 = tpu.memref_squeeze %dma_start3A_978 : memref<1x32x128xf32, #tpu.memory_space<vmem>> -> memref<32x128xf32, #tpu.memory_space<vmem>>
        %dma_start3A_980 = arith.constant 0 : i32
        %dma_start3A_981 = tpu.memref_slice %arg2[%dma_start3A_980, %multiple_of3A_974] : memref<32x1000000xf32, #tpu.memory_space<hbm>> -> memref<32x128xf32, #tpu.memory_space<hbm>>
        %dma_start3A_982 = arith.constant 0 : i32
        %dma_start3A_983 = arith.constant 0 : i32
        %dma_start3A_984 = tpu.memref_slice %arg6[%dma_start3A_975, %dma_start3A_982, %dma_start3A_983] : memref<8x32x128xf32, #tpu.memory_space<vmem>> -> memref<1x32x128xf32, #tpu.memory_space<vmem>>
        %dma_start3A_985 = tpu.memref_squeeze %dma_start3A_984 : memref<1x32x128xf32, #tpu.memory_space<vmem>> -> memref<32x128xf32, #tpu.memory_space<vmem>>
        %dma_start3A_986 = arith.constant 0 : i32
        %dma_start3A_987 = tpu.memref_slice %arg2[%dma_start3A_986, %multiple_of3A_974] : memref<32x1000000xf32, #tpu.memory_space<hbm>> -> memref<32x128xf32, #tpu.memory_space<hbm>>
        tpu.enqueue_dma source(%dma_start3A_987 : memref<32x128xf32, #tpu.memory_space<hbm>>) target(%dma_start3A_985 : memref<32x128xf32, #tpu.memory_space<vmem>>) target_semaphore(%arg9 : memref<!tpu.dma_semaphore, #tpu.memory_space<semaphore_mem>>)
        %slice3A_988 = vector.extract_strided_slice %shift_left3A_971 {offsets = [1], sizes = [1], strides = [1]} : vector<16xi32> to vector<1xi32>
        %squeeze3A_989 = vector.extract %slice3A_988[0] : i32 from vector<1xi32>
        %multiple_of3A_990 = tpu.assume_multiple %squeeze3A_989, 128 : i32
        %dma_start3A_991 = arith.constant 1 : i32
        %dma_start3A_992 = arith.constant 0 : i32
        %dma_start3A_993 = arith.constant 0 : i32
        %dma_start3A_994 = tpu.memref_slice %arg6[%dma_start3A_991, %dma_start3A_992, %dma_start3A_993] : memref<8x32x128xf32, #tpu.memory_space<vmem>> -> memref<1x32x128xf32, #tpu.memory_space<vmem>>
        %dma_start3A_995 = tpu.memref_squeeze %dma_start3A_994 : memref<1x32x128xf32, #tpu.memory_space<vmem>> -> memref<32x128xf32, #tpu.memory_space<vmem>>
        %dma_start3A_996 = arith.constant 0 : i32
        %dma_start3A_997 = tpu.memref_slice %arg2[%dma_start3A_996, %multiple_of3A_990] : memref<32x1000000xf32, #tpu.memory_space<hbm>> -> memref<32x128xf32, #tpu.memory_space<hbm>>
        %dma_start3A_998 = arith.constant 0 : i32
        %dma_start3A_999 = arith.constant 0 : i32
        %dma_start3A_1000 = tpu.memref_slice %arg6[%dma_start3A_991, %dma_start3A_998, %dma_start3A_999] : memref<8x32x128xf32, #tpu.memory_space<vmem>> -> memref<1x32x128xf32, #tpu.memory_space<vmem>>
        %dma_start3A_1001 = tpu.memref_squeeze %dma_start3A_1000 : memref<1x32x128xf32, #tpu.memory_space<vmem>> -> memref<32x128xf32, #tpu.memory_space<vmem>>
        %dma_start3A_1002 = arith.constant 0 : i32
        %dma_start3A_1003 = tpu.memref_slice %arg2[%dma_start3A_1002, %multiple_of3A_990] : memref<32x1000000xf32, #tpu.memory_space<hbm>> -> memref<32x128xf32, #tpu.memory_space<hbm>>
        tpu.enqueue_dma source(%dma_start3A_1003 : memref<32x128xf32, #tpu.memory_space<hbm>>) target(%dma_start3A_1001 : memref<32x128xf32, #tpu.memory_space<vmem>>) target_semaphore(%arg9 : memref<!tpu.dma_semaphore, #tpu.memory_space<semaphore_mem>>)
        %slice3A_1004 = vector.extract_strided_slice %shift_left3A_971 {offsets = [2], sizes = [1], strides = [1]} : vector<16xi32> to vector<1xi32>
        %squeeze3A_1005 = vector.extract %slice3A_1004[0] : i32 from vector<1xi32>
        %multiple_of3A_1006 = tpu.assume_multiple %squeeze3A_1005, 128 : i32
        %dma_start3A_1007 = arith.constant 2 : i32
        %dma_start3A_1008 = arith.constant 0 : i32
        %dma_start3A_1009 = arith.constant 0 : i32
        %dma_start3A_1010 = tpu.memref_slice %arg6[%dma_start3A_1007, %dma_start3A_1008, %dma_start3A_1009] : memref<8x32x128xf32, #tpu.memory_space<vmem>> -> memref<1x32x128xf32, #tpu.memory_space<vmem>>
        %dma_start3A_1011 = tpu.memref_squeeze %dma_start3A_1010 : memref<1x32x128xf32, #tpu.memory_space<vmem>> -> memref<32x128xf32, #tpu.memory_space<vmem>>
        %dma_start3A_1012 = arith.constant 0 : i32
        %dma_start3A_1013 = tpu.memref_slice %arg2[%dma_start3A_1012, %multiple_of3A_1006] : memref<32x1000000xf32, #tpu.memory_space<hbm>> -> memref<32x128xf32, #tpu.memory_space<hbm>>
        %dma_start3A_1014 = arith.constant 0 : i32
        %dma_start3A_1015 = arith.constant 0 : i32
        %dma_start3A_1016 = tpu.memref_slice %arg6[%dma_start3A_1007, %dma_start3A_1014, %dma_start3A_1015] : memref<8x32x128xf32, #tpu.memory_space<vmem>> -> memref<1x32x128xf32, #tpu.memory_space<vmem>>
        %dma_start3A_1017 = tpu.memref_squeeze %dma_start3A_1016 : memref<1x32x128xf32, #tpu.memory_space<vmem>> -> memref<32x128xf32, #tpu.memory_space<vmem>>
        %dma_start3A_1018 = arith.constant 0 : i32
        %dma_start3A_1019 = tpu.memref_slice %arg2[%dma_start3A_1018, %multiple_of3A_1006] : memref<32x1000000xf32, #tpu.memory_space<hbm>> -> memref<32x128xf32, #tpu.memory_space<hbm>>
        tpu.enqueue_dma source(%dma_start3A_1019 : memref<32x128xf32, #tpu.memory_space<hbm>>) target(%dma_start3A_1017 : memref<32x128xf32, #tpu.memory_space<vmem>>) target_semaphore(%arg9 : memref<!tpu.dma_semaphore, #tpu.memory_space<semaphore_mem>>)
        %slice3A_1020 = vector.extract_strided_slice %shift_left3A_971 {offsets = [3], sizes = [1], strides = [1]} : vector<16xi32> to vector<1xi32>
        %squeeze3A_1021 = vector.extract %slice3A_1020[0] : i32 from vector<1xi32>
        %multiple_of3A_1022 = tpu.assume_multiple %squeeze3A_1021, 128 : i32
        %dma_start3A_1023 = arith.constant 3 : i32
        %dma_start3A_1024 = arith.constant 0 : i32
        %dma_start3A_1025 = arith.constant 0 : i32
        %dma_start3A_1026 = tpu.memref_slice %arg6[%dma_start3A_1023, %dma_start3A_1024, %dma_start3A_1025] : memref<8x32x128xf32, #tpu.memory_space<vmem>> -> memref<1x32x128xf32, #tpu.memory_space<vmem>>
        %dma_start3A_1027 = tpu.memref_squeeze %dma_start3A_1026 : memref<1x32x128xf32, #tpu.memory_space<vmem>> -> memref<32x128xf32, #tpu.memory_space<vmem>>
        %dma_start3A_1028 = arith.constant 0 : i32
        %dma_start3A_1029 = tpu.memref_slice %arg2[%dma_start3A_1028, %multiple_of3A_1022] : memref<32x1000000xf32, #tpu.memory_space<hbm>> -> memref<32x128xf32, #tpu.memory_space<hbm>>
        %dma_start3A_1030 = arith.constant 0 : i32
        %dma_start3A_1031 = arith.constant 0 : i32
        %dma_start3A_1032 = tpu.memref_slice %arg6[%dma_start3A_1023, %dma_start3A_1030, %dma_start3A_1031] : memref<8x32x128xf32, #tpu.memory_space<vmem>> -> memref<1x32x128xf32, #tpu.memory_space<vmem>>
        %dma_start3A_1033 = tpu.memref_squeeze %dma_start3A_1032 : memref<1x32x128xf32, #tpu.memory_space<vmem>> -> memref<32x128xf32, #tpu.memory_space<vmem>>
        %dma_start3A_1034 = arith.constant 0 : i32
        %dma_start3A_1035 = tpu.memref_slice %arg2[%dma_start3A_1034, %multiple_of3A_1022] : memref<32x1000000xf32, #tpu.memory_space<hbm>> -> memref<32x128xf32, #tpu.memory_space<hbm>>
        tpu.enqueue_dma source(%dma_start3A_1035 : memref<32x128xf32, #tpu.memory_space<hbm>>) target(%dma_start3A_1033 : memref<32x128xf32, #tpu.memory_space<vmem>>) target_semaphore(%arg9 : memref<!tpu.dma_semaphore, #tpu.memory_space<semaphore_mem>>)
        %slice3A_1036 = vector.extract_strided_slice %shift_left3A_971 {offsets = [4], sizes = [1], strides = [1]} : vector<16xi32> to vector<1xi32>
        %squeeze3A_1037 = vector.extract %slice3A_1036[0] : i32 from vector<1xi32>
        %multiple_of3A_1038 = tpu.assume_multiple %squeeze3A_1037, 128 : i32
        %dma_start3A_1039 = arith.constant 4 : i32
        %dma_start3A_1040 = arith.constant 0 : i32
        %dma_start3A_1041 = arith.constant 0 : i32
        %dma_start3A_1042 = tpu.memref_slice %arg6[%dma_start3A_1039, %dma_start3A_1040, %dma_start3A_1041] : memref<8x32x128xf32, #tpu.memory_space<vmem>> -> memref<1x32x128xf32, #tpu.memory_space<vmem>>
        %dma_start3A_1043 = tpu.memref_squeeze %dma_start3A_1042 : memref<1x32x128xf32, #tpu.memory_space<vmem>> -> memref<32x128xf32, #tpu.memory_space<vmem>>
        %dma_start3A_1044 = arith.constant 0 : i32
        %dma_start3A_1045 = tpu.memref_slice %arg2[%dma_start3A_1044, %multiple_of3A_1038] : memref<32x1000000xf32, #tpu.memory_space<hbm>> -> memref<32x128xf32, #tpu.memory_space<hbm>>
        %dma_start3A_1046 = arith.constant 0 : i32
        %dma_start3A_1047 = arith.constant 0 : i32
        %dma_start3A_1048 = tpu.memref_slice %arg6[%dma_start3A_1039, %dma_start3A_1046, %dma_start3A_1047] : memref<8x32x128xf32, #tpu.memory_space<vmem>> -> memref<1x32x128xf32, #tpu.memory_space<vmem>>
        %dma_start3A_1049 = tpu.memref_squeeze %dma_start3A_1048 : memref<1x32x128xf32, #tpu.memory_space<vmem>> -> memref<32x128xf32, #tpu.memory_space<vmem>>
        %dma_start3A_1050 = arith.constant 0 : i32
        %dma_start3A_1051 = tpu.memref_slice %arg2[%dma_start3A_1050, %multiple_of3A_1038] : memref<32x1000000xf32, #tpu.memory_space<hbm>> -> memref<32x128xf32, #tpu.memory_space<hbm>>
        tpu.enqueue_dma source(%dma_start3A_1051 : memref<32x128xf32, #tpu.memory_space<hbm>>) target(%dma_start3A_1049 : memref<32x128xf32, #tpu.memory_space<vmem>>) target_semaphore(%arg9 : memref<!tpu.dma_semaphore, #tpu.memory_space<semaphore_mem>>)
        %slice3A_1052 = vector.extract_strided_slice %shift_left3A_971 {offsets = [5], sizes = [1], strides = [1]} : vector<16xi32> to vector<1xi32>
        %squeeze3A_1053 = vector.extract %slice3A_1052[0] : i32 from vector<1xi32>
        %multiple_of3A_1054 = tpu.assume_multiple %squeeze3A_1053, 128 : i32
        %dma_start3A_1055 = arith.constant 5 : i32
        %dma_start3A_1056 = arith.constant 0 : i32
        %dma_start3A_1057 = arith.constant 0 : i32
        %dma_start3A_1058 = tpu.memref_slice %arg6[%dma_start3A_1055, %dma_start3A_1056, %dma_start3A_1057] : memref<8x32x128xf32, #tpu.memory_space<vmem>> -> memref<1x32x128xf32, #tpu.memory_space<vmem>>
        %dma_start3A_1059 = tpu.memref_squeeze %dma_start3A_1058 : memref<1x32x128xf32, #tpu.memory_space<vmem>> -> memref<32x128xf32, #tpu.memory_space<vmem>>
        %dma_start3A_1060 = arith.constant 0 : i32
        %dma_start3A_1061 = tpu.memref_slice %arg2[%dma_start3A_1060, %multiple_of3A_1054] : memref<32x1000000xf32, #tpu.memory_space<hbm>> -> memref<32x128xf32, #tpu.memory_space<hbm>>
        %dma_start3A_1062 = arith.constant 0 : i32
        %dma_start3A_1063 = arith.constant 0 : i32
        %dma_start3A_1064 = tpu.memref_slice %arg6[%dma_start3A_1055, %dma_start3A_1062, %dma_start3A_1063] : memref<8x32x128xf32, #tpu.memory_space<vmem>> -> memref<1x32x128xf32, #tpu.memory_space<vmem>>
        %dma_start3A_1065 = tpu.memref_squeeze %dma_start3A_1064 : memref<1x32x128xf32, #tpu.memory_space<vmem>> -> memref<32x128xf32, #tpu.memory_space<vmem>>
        %dma_start3A_1066 = arith.constant 0 : i32
        %dma_start3A_1067 = tpu.memref_slice %arg2[%dma_start3A_1066, %multiple_of3A_1054] : memref<32x1000000xf32, #tpu.memory_space<hbm>> -> memref<32x128xf32, #tpu.memory_space<hbm>>
        tpu.enqueue_dma source(%dma_start3A_1067 : memref<32x128xf32, #tpu.memory_space<hbm>>) target(%dma_start3A_1065 : memref<32x128xf32, #tpu.memory_space<vmem>>) target_semaphore(%arg9 : memref<!tpu.dma_semaphore, #tpu.memory_space<semaphore_mem>>)
        %slice3A_1068 = vector.extract_strided_slice %shift_left3A_971 {offsets = [6], sizes = [1], strides = [1]} : vector<16xi32> to vector<1xi32>
        %squeeze3A_1069 = vector.extract %slice3A_1068[0] : i32 from vector<1xi32>
        %multiple_of3A_1070 = tpu.assume_multiple %squeeze3A_1069, 128 : i32
        %dma_start3A_1071 = arith.constant 6 : i32
        %dma_start3A_1072 = arith.constant 0 : i32
        %dma_start3A_1073 = arith.constant 0 : i32
        %dma_start3A_1074 = tpu.memref_slice %arg6[%dma_start3A_1071, %dma_start3A_1072, %dma_start3A_1073] : memref<8x32x128xf32, #tpu.memory_space<vmem>> -> memref<1x32x128xf32, #tpu.memory_space<vmem>>
        %dma_start3A_1075 = tpu.memref_squeeze %dma_start3A_1074 : memref<1x32x128xf32, #tpu.memory_space<vmem>> -> memref<32x128xf32, #tpu.memory_space<vmem>>
        %dma_start3A_1076 = arith.constant 0 : i32
        %dma_start3A_1077 = tpu.memref_slice %arg2[%dma_start3A_1076, %multiple_of3A_1070] : memref<32x1000000xf32, #tpu.memory_space<hbm>> -> memref<32x128xf32, #tpu.memory_space<hbm>>
        %dma_start3A_1078 = arith.constant 0 : i32
        %dma_start3A_1079 = arith.constant 0 : i32
        %dma_start3A_1080 = tpu.memref_slice %arg6[%dma_start3A_1071, %dma_start3A_1078, %dma_start3A_1079] : memref<8x32x128xf32, #tpu.memory_space<vmem>> -> memref<1x32x128xf32, #tpu.memory_space<vmem>>
        %dma_start3A_1081 = tpu.memref_squeeze %dma_start3A_1080 : memref<1x32x128xf32, #tpu.memory_space<vmem>> -> memref<32x128xf32, #tpu.memory_space<vmem>>
        %dma_start3A_1082 = arith.constant 0 : i32
        %dma_start3A_1083 = tpu.memref_slice %arg2[%dma_start3A_1082, %multiple_of3A_1070] : memref<32x1000000xf32, #tpu.memory_space<hbm>> -> memref<32x128xf32, #tpu.memory_space<hbm>>
        tpu.enqueue_dma source(%dma_start3A_1083 : memref<32x128xf32, #tpu.memory_space<hbm>>) target(%dma_start3A_1081 : memref<32x128xf32, #tpu.memory_space<vmem>>) target_semaphore(%arg9 : memref<!tpu.dma_semaphore, #tpu.memory_space<semaphore_mem>>)
        %slice3A_1084 = vector.extract_strided_slice %shift_left3A_971 {offsets = [7], sizes = [1], strides = [1]} : vector<16xi32> to vector<1xi32>
        %squeeze3A_1085 = vector.extract %slice3A_1084[0] : i32 from vector<1xi32>
        %multiple_of3A_1086 = tpu.assume_multiple %squeeze3A_1085, 128 : i32
        %dma_start3A_1087 = arith.constant 7 : i32
        %dma_start3A_1088 = arith.constant 0 : i32
        %dma_start3A_1089 = arith.constant 0 : i32
        %dma_start3A_1090 = tpu.memref_slice %arg6[%dma_start3A_1087, %dma_start3A_1088, %dma_start3A_1089] : memref<8x32x128xf32, #tpu.memory_space<vmem>> -> memref<1x32x128xf32, #tpu.memory_space<vmem>>
        %dma_start3A_1091 = tpu.memref_squeeze %dma_start3A_1090 : memref<1x32x128xf32, #tpu.memory_space<vmem>> -> memref<32x128xf32, #tpu.memory_space<vmem>>
        %dma_start3A_1092 = arith.constant 0 : i32
        %dma_start3A_1093 = tpu.memref_slice %arg2[%dma_start3A_1092, %multiple_of3A_1086] : memref<32x1000000xf32, #tpu.memory_space<hbm>> -> memref<32x128xf32, #tpu.memory_space<hbm>>
        %dma_start3A_1094 = arith.constant 0 : i32
        %dma_start3A_1095 = arith.constant 0 : i32
        %dma_start3A_1096 = tpu.memref_slice %arg6[%dma_start3A_1087, %dma_start3A_1094, %dma_start3A_1095] : memref<8x32x128xf32, #tpu.memory_space<vmem>> -> memref<1x32x128xf32, #tpu.memory_space<vmem>>
        %dma_start3A_1097 = tpu.memref_squeeze %dma_start3A_1096 : memref<1x32x128xf32, #tpu.memory_space<vmem>> -> memref<32x128xf32, #tpu.memory_space<vmem>>
        %dma_start3A_1098 = arith.constant 0 : i32
        %dma_start3A_1099 = tpu.memref_slice %arg2[%dma_start3A_1098, %multiple_of3A_1086] : memref<32x1000000xf32, #tpu.memory_space<hbm>> -> memref<32x128xf32, #tpu.memory_space<hbm>>
        tpu.enqueue_dma source(%dma_start3A_1099 : memref<32x128xf32, #tpu.memory_space<hbm>>) target(%dma_start3A_1097 : memref<32x128xf32, #tpu.memory_space<vmem>>) target_semaphore(%arg9 : memref<!tpu.dma_semaphore, #tpu.memory_space<semaphore_mem>>)
      } else {
      }
      %mul3A_615 = arith.constant 16 : i32
      %mul3A_616 = arith.muli %scan3A_272, %mul3A_615 : i32
      %add3A_617 = arith.constant 8 : i32
      %add3A_618 = arith.addi %mul3A_616, %add3A_617 : i32
      %dma_wait3A_619 = arith.constant 0 : i32
      %dma_wait3A_620 = arith.constant 0 : i32
      %dma_wait3A_621 = arith.constant 0 : i32
      %dma_wait3A_622 = tpu.memref_slice %arg7[%dma_wait3A_619, %dma_wait3A_620, %dma_wait3A_621] : memref<8x32x128xf32, #tpu.memory_space<vmem>> -> memref<1x32x128xf32, #tpu.memory_space<vmem>>
      %dma_wait3A_623 = tpu.memref_squeeze %dma_wait3A_622 : memref<1x32x128xf32, #tpu.memory_space<vmem>> -> memref<32x128xf32, #tpu.memory_space<vmem>>
      %dma_wait3A_624 = arith.constant 0 : i32
      %dma_wait3A_625 = arith.constant 0 : i32
      %dma_wait3A_626 = tpu.memref_slice %arg2[%dma_wait3A_624, %dma_wait3A_625] : memref<32x1000000xf32, #tpu.memory_space<hbm>> -> memref<32x128xf32, #tpu.memory_space<hbm>>
      %dma_wait3A_627 = arith.constant 0 : i32
      %dma_wait3A_628 = arith.constant 0 : i32
      %dma_wait3A_629 = tpu.memref_slice %arg7[%dma_wait3A_619, %dma_wait3A_627, %dma_wait3A_628] : memref<8x32x128xf32, #tpu.memory_space<vmem>> -> memref<1x32x128xf32, #tpu.memory_space<vmem>>
      %dma_wait3A_630 = tpu.memref_squeeze %dma_wait3A_629 : memref<1x32x128xf32, #tpu.memory_space<vmem>> -> memref<32x128xf32, #tpu.memory_space<vmem>>
      %dma_wait3A_631 = arith.constant 0 : i32
      %dma_wait3A_632 = arith.constant 0 : i32
      %dma_wait3A_633 = tpu.memref_slice %arg2[%dma_wait3A_631, %dma_wait3A_632] : memref<32x1000000xf32, #tpu.memory_space<hbm>> -> memref<32x128xf32, #tpu.memory_space<hbm>>
      tpu.wait_dma2 semaphore(%arg10 : memref<!tpu.dma_semaphore, #tpu.memory_space<semaphore_mem>>) src(%dma_wait3A_633 : memref<32x128xf32, #tpu.memory_space<hbm>>) dst(%dma_wait3A_630 : memref<32x128xf32, #tpu.memory_space<vmem>>)
      %dma_wait3A_634 = arith.constant 1 : i32
      %dma_wait3A_635 = arith.constant 0 : i32
      %dma_wait3A_636 = arith.constant 0 : i32
      %dma_wait3A_637 = tpu.memref_slice %arg7[%dma_wait3A_634, %dma_wait3A_635, %dma_wait3A_636] : memref<8x32x128xf32, #tpu.memory_space<vmem>> -> memref<1x32x128xf32, #tpu.memory_space<vmem>>
      %dma_wait3A_638 = tpu.memref_squeeze %dma_wait3A_637 : memref<1x32x128xf32, #tpu.memory_space<vmem>> -> memref<32x128xf32, #tpu.memory_space<vmem>>
      %dma_wait3A_639 = arith.constant 0 : i32
      %dma_wait3A_640 = arith.constant 0 : i32
      %dma_wait3A_641 = tpu.memref_slice %arg2[%dma_wait3A_639, %dma_wait3A_640] : memref<32x1000000xf32, #tpu.memory_space<hbm>> -> memref<32x128xf32, #tpu.memory_space<hbm>>
      %dma_wait3A_642 = arith.constant 0 : i32
      %dma_wait3A_643 = arith.constant 0 : i32
      %dma_wait3A_644 = tpu.memref_slice %arg7[%dma_wait3A_634, %dma_wait3A_642, %dma_wait3A_643] : memref<8x32x128xf32, #tpu.memory_space<vmem>> -> memref<1x32x128xf32, #tpu.memory_space<vmem>>
      %dma_wait3A_645 = tpu.memref_squeeze %dma_wait3A_644 : memref<1x32x128xf32, #tpu.memory_space<vmem>> -> memref<32x128xf32, #tpu.memory_space<vmem>>
      %dma_wait3A_646 = arith.constant 0 : i32
      %dma_wait3A_647 = arith.constant 0 : i32
      %dma_wait3A_648 = tpu.memref_slice %arg2[%dma_wait3A_646, %dma_wait3A_647] : memref<32x1000000xf32, #tpu.memory_space<hbm>> -> memref<32x128xf32, #tpu.memory_space<hbm>>
      tpu.wait_dma2 semaphore(%arg10 : memref<!tpu.dma_semaphore, #tpu.memory_space<semaphore_mem>>) src(%dma_wait3A_648 : memref<32x128xf32, #tpu.memory_space<hbm>>) dst(%dma_wait3A_645 : memref<32x128xf32, #tpu.memory_space<vmem>>)
      %dma_wait3A_649 = arith.constant 2 : i32
      %dma_wait3A_650 = arith.constant 0 : i32
      %dma_wait3A_651 = arith.constant 0 : i32
      %dma_wait3A_652 = tpu.memref_slice %arg7[%dma_wait3A_649, %dma_wait3A_650, %dma_wait3A_651] : memref<8x32x128xf32, #tpu.memory_space<vmem>> -> memref<1x32x128xf32, #tpu.memory_space<vmem>>
      %dma_wait3A_653 = tpu.memref_squeeze %dma_wait3A_652 : memref<1x32x128xf32, #tpu.memory_space<vmem>> -> memref<32x128xf32, #tpu.memory_space<vmem>>
      %dma_wait3A_654 = arith.constant 0 : i32
      %dma_wait3A_655 = arith.constant 0 : i32
      %dma_wait3A_656 = tpu.memref_slice %arg2[%dma_wait3A_654, %dma_wait3A_655] : memref<32x1000000xf32, #tpu.memory_space<hbm>> -> memref<32x128xf32, #tpu.memory_space<hbm>>
      %dma_wait3A_657 = arith.constant 0 : i32
      %dma_wait3A_658 = arith.constant 0 : i32
      %dma_wait3A_659 = tpu.memref_slice %arg7[%dma_wait3A_649, %dma_wait3A_657, %dma_wait3A_658] : memref<8x32x128xf32, #tpu.memory_space<vmem>> -> memref<1x32x128xf32, #tpu.memory_space<vmem>>
      %dma_wait3A_660 = tpu.memref_squeeze %dma_wait3A_659 : memref<1x32x128xf32, #tpu.memory_space<vmem>> -> memref<32x128xf32, #tpu.memory_space<vmem>>
      %dma_wait3A_661 = arith.constant 0 : i32
      %dma_wait3A_662 = arith.constant 0 : i32
      %dma_wait3A_663 = tpu.memref_slice %arg2[%dma_wait3A_661, %dma_wait3A_662] : memref<32x1000000xf32, #tpu.memory_space<hbm>> -> memref<32x128xf32, #tpu.memory_space<hbm>>
      tpu.wait_dma2 semaphore(%arg10 : memref<!tpu.dma_semaphore, #tpu.memory_space<semaphore_mem>>) src(%dma_wait3A_663 : memref<32x128xf32, #tpu.memory_space<hbm>>) dst(%dma_wait3A_660 : memref<32x128xf32, #tpu.memory_space<vmem>>)
      %dma_wait3A_664 = arith.constant 3 : i32
      %dma_wait3A_665 = arith.constant 0 : i32
      %dma_wait3A_666 = arith.constant 0 : i32
      %dma_wait3A_667 = tpu.memref_slice %arg7[%dma_wait3A_664, %dma_wait3A_665, %dma_wait3A_666] : memref<8x32x128xf32, #tpu.memory_space<vmem>> -> memref<1x32x128xf32, #tpu.memory_space<vmem>>
      %dma_wait3A_668 = tpu.memref_squeeze %dma_wait3A_667 : memref<1x32x128xf32, #tpu.memory_space<vmem>> -> memref<32x128xf32, #tpu.memory_space<vmem>>
      %dma_wait3A_669 = arith.constant 0 : i32
      %dma_wait3A_670 = arith.constant 0 : i32
      %dma_wait3A_671 = tpu.memref_slice %arg2[%dma_wait3A_669, %dma_wait3A_670] : memref<32x1000000xf32, #tpu.memory_space<hbm>> -> memref<32x128xf32, #tpu.memory_space<hbm>>
      %dma_wait3A_672 = arith.constant 0 : i32
      %dma_wait3A_673 = arith.constant 0 : i32
      %dma_wait3A_674 = tpu.memref_slice %arg7[%dma_wait3A_664, %dma_wait3A_672, %dma_wait3A_673] : memref<8x32x128xf32, #tpu.memory_space<vmem>> -> memref<1x32x128xf32, #tpu.memory_space<vmem>>
      %dma_wait3A_675 = tpu.memref_squeeze %dma_wait3A_674 : memref<1x32x128xf32, #tpu.memory_space<vmem>> -> memref<32x128xf32, #tpu.memory_space<vmem>>
      %dma_wait3A_676 = arith.constant 0 : i32
      %dma_wait3A_677 = arith.constant 0 : i32
      %dma_wait3A_678 = tpu.memref_slice %arg2[%dma_wait3A_676, %dma_wait3A_677] : memref<32x1000000xf32, #tpu.memory_space<hbm>> -> memref<32x128xf32, #tpu.memory_space<hbm>>
      tpu.wait_dma2 semaphore(%arg10 : memref<!tpu.dma_semaphore, #tpu.memory_space<semaphore_mem>>) src(%dma_wait3A_678 : memref<32x128xf32, #tpu.memory_space<hbm>>) dst(%dma_wait3A_675 : memref<32x128xf32, #tpu.memory_space<vmem>>)
      %dma_wait3A_679 = arith.constant 4 : i32
      %dma_wait3A_680 = arith.constant 0 : i32
      %dma_wait3A_681 = arith.constant 0 : i32
      %dma_wait3A_682 = tpu.memref_slice %arg7[%dma_wait3A_679, %dma_wait3A_680, %dma_wait3A_681] : memref<8x32x128xf32, #tpu.memory_space<vmem>> -> memref<1x32x128xf32, #tpu.memory_space<vmem>>
      %dma_wait3A_683 = tpu.memref_squeeze %dma_wait3A_682 : memref<1x32x128xf32, #tpu.memory_space<vmem>> -> memref<32x128xf32, #tpu.memory_space<vmem>>
      %dma_wait3A_684 = arith.constant 0 : i32
      %dma_wait3A_685 = arith.constant 0 : i32
      %dma_wait3A_686 = tpu.memref_slice %arg2[%dma_wait3A_684, %dma_wait3A_685] : memref<32x1000000xf32, #tpu.memory_space<hbm>> -> memref<32x128xf32, #tpu.memory_space<hbm>>
      %dma_wait3A_687 = arith.constant 0 : i32
      %dma_wait3A_688 = arith.constant 0 : i32
      %dma_wait3A_689 = tpu.memref_slice %arg7[%dma_wait3A_679, %dma_wait3A_687, %dma_wait3A_688] : memref<8x32x128xf32, #tpu.memory_space<vmem>> -> memref<1x32x128xf32, #tpu.memory_space<vmem>>
      %dma_wait3A_690 = tpu.memref_squeeze %dma_wait3A_689 : memref<1x32x128xf32, #tpu.memory_space<vmem>> -> memref<32x128xf32, #tpu.memory_space<vmem>>
      %dma_wait3A_691 = arith.constant 0 : i32
      %dma_wait3A_692 = arith.constant 0 : i32
      %dma_wait3A_693 = tpu.memref_slice %arg2[%dma_wait3A_691, %dma_wait3A_692] : memref<32x1000000xf32, #tpu.memory_space<hbm>> -> memref<32x128xf32, #tpu.memory_space<hbm>>
      tpu.wait_dma2 semaphore(%arg10 : memref<!tpu.dma_semaphore, #tpu.memory_space<semaphore_mem>>) src(%dma_wait3A_693 : memref<32x128xf32, #tpu.memory_space<hbm>>) dst(%dma_wait3A_690 : memref<32x128xf32, #tpu.memory_space<vmem>>)
      %dma_wait3A_694 = arith.constant 5 : i32
      %dma_wait3A_695 = arith.constant 0 : i32
      %dma_wait3A_696 = arith.constant 0 : i32
      %dma_wait3A_697 = tpu.memref_slice %arg7[%dma_wait3A_694, %dma_wait3A_695, %dma_wait3A_696] : memref<8x32x128xf32, #tpu.memory_space<vmem>> -> memref<1x32x128xf32, #tpu.memory_space<vmem>>
      %dma_wait3A_698 = tpu.memref_squeeze %dma_wait3A_697 : memref<1x32x128xf32, #tpu.memory_space<vmem>> -> memref<32x128xf32, #tpu.memory_space<vmem>>
      %dma_wait3A_699 = arith.constant 0 : i32
      %dma_wait3A_700 = arith.constant 0 : i32
      %dma_wait3A_701 = tpu.memref_slice %arg2[%dma_wait3A_699, %dma_wait3A_700] : memref<32x1000000xf32, #tpu.memory_space<hbm>> -> memref<32x128xf32, #tpu.memory_space<hbm>>
      %dma_wait3A_702 = arith.constant 0 : i32
      %dma_wait3A_703 = arith.constant 0 : i32
      %dma_wait3A_704 = tpu.memref_slice %arg7[%dma_wait3A_694, %dma_wait3A_702, %dma_wait3A_703] : memref<8x32x128xf32, #tpu.memory_space<vmem>> -> memref<1x32x128xf32, #tpu.memory_space<vmem>>
      %dma_wait3A_705 = tpu.memref_squeeze %dma_wait3A_704 : memref<1x32x128xf32, #tpu.memory_space<vmem>> -> memref<32x128xf32, #tpu.memory_space<vmem>>
      %dma_wait3A_706 = arith.constant 0 : i32
      %dma_wait3A_707 = arith.constant 0 : i32
      %dma_wait3A_708 = tpu.memref_slice %arg2[%dma_wait3A_706, %dma_wait3A_707] : memref<32x1000000xf32, #tpu.memory_space<hbm>> -> memref<32x128xf32, #tpu.memory_space<hbm>>
      tpu.wait_dma2 semaphore(%arg10 : memref<!tpu.dma_semaphore, #tpu.memory_space<semaphore_mem>>) src(%dma_wait3A_708 : memref<32x128xf32, #tpu.memory_space<hbm>>) dst(%dma_wait3A_705 : memref<32x128xf32, #tpu.memory_space<vmem>>)
      %dma_wait3A_709 = arith.constant 6 : i32
      %dma_wait3A_710 = arith.constant 0 : i32
      %dma_wait3A_711 = arith.constant 0 : i32
      %dma_wait3A_712 = tpu.memref_slice %arg7[%dma_wait3A_709, %dma_wait3A_710, %dma_wait3A_711] : memref<8x32x128xf32, #tpu.memory_space<vmem>> -> memref<1x32x128xf32, #tpu.memory_space<vmem>>
      %dma_wait3A_713 = tpu.memref_squeeze %dma_wait3A_712 : memref<1x32x128xf32, #tpu.memory_space<vmem>> -> memref<32x128xf32, #tpu.memory_space<vmem>>
      %dma_wait3A_714 = arith.constant 0 : i32
      %dma_wait3A_715 = arith.constant 0 : i32
      %dma_wait3A_716 = tpu.memref_slice %arg2[%dma_wait3A_714, %dma_wait3A_715] : memref<32x1000000xf32, #tpu.memory_space<hbm>> -> memref<32x128xf32, #tpu.memory_space<hbm>>
      %dma_wait3A_717 = arith.constant 0 : i32
      %dma_wait3A_718 = arith.constant 0 : i32
      %dma_wait3A_719 = tpu.memref_slice %arg7[%dma_wait3A_709, %dma_wait3A_717, %dma_wait3A_718] : memref<8x32x128xf32, #tpu.memory_space<vmem>> -> memref<1x32x128xf32, #tpu.memory_space<vmem>>
      %dma_wait3A_720 = tpu.memref_squeeze %dma_wait3A_719 : memref<1x32x128xf32, #tpu.memory_space<vmem>> -> memref<32x128xf32, #tpu.memory_space<vmem>>
      %dma_wait3A_721 = arith.constant 0 : i32
      %dma_wait3A_722 = arith.constant 0 : i32
      %dma_wait3A_723 = tpu.memref_slice %arg2[%dma_wait3A_721, %dma_wait3A_722] : memref<32x1000000xf32, #tpu.memory_space<hbm>> -> memref<32x128xf32, #tpu.memory_space<hbm>>
      tpu.wait_dma2 semaphore(%arg10 : memref<!tpu.dma_semaphore, #tpu.memory_space<semaphore_mem>>) src(%dma_wait3A_723 : memref<32x128xf32, #tpu.memory_space<hbm>>) dst(%dma_wait3A_720 : memref<32x128xf32, #tpu.memory_space<vmem>>)
      %dma_wait3A_724 = arith.constant 7 : i32
      %dma_wait3A_725 = arith.constant 0 : i32
      %dma_wait3A_726 = arith.constant 0 : i32
      %dma_wait3A_727 = tpu.memref_slice %arg7[%dma_wait3A_724, %dma_wait3A_725, %dma_wait3A_726] : memref<8x32x128xf32, #tpu.memory_space<vmem>> -> memref<1x32x128xf32, #tpu.memory_space<vmem>>
      %dma_wait3A_728 = tpu.memref_squeeze %dma_wait3A_727 : memref<1x32x128xf32, #tpu.memory_space<vmem>> -> memref<32x128xf32, #tpu.memory_space<vmem>>
      %dma_wait3A_729 = arith.constant 0 : i32
      %dma_wait3A_730 = arith.constant 0 : i32
      %dma_wait3A_731 = tpu.memref_slice %arg2[%dma_wait3A_729, %dma_wait3A_730] : memref<32x1000000xf32, #tpu.memory_space<hbm>> -> memref<32x128xf32, #tpu.memory_space<hbm>>
      %dma_wait3A_732 = arith.constant 0 : i32
      %dma_wait3A_733 = arith.constant 0 : i32
      %dma_wait3A_734 = tpu.memref_slice %arg7[%dma_wait3A_724, %dma_wait3A_732, %dma_wait3A_733] : memref<8x32x128xf32, #tpu.memory_space<vmem>> -> memref<1x32x128xf32, #tpu.memory_space<vmem>>
      %dma_wait3A_735 = tpu.memref_squeeze %dma_wait3A_734 : memref<1x32x128xf32, #tpu.memory_space<vmem>> -> memref<32x128xf32, #tpu.memory_space<vmem>>
      %dma_wait3A_736 = arith.constant 0 : i32
      %dma_wait3A_737 = arith.constant 0 : i32
      %dma_wait3A_738 = tpu.memref_slice %arg2[%dma_wait3A_736, %dma_wait3A_737] : memref<32x1000000xf32, #tpu.memory_space<hbm>> -> memref<32x128xf32, #tpu.memory_space<hbm>>
      tpu.wait_dma2 semaphore(%arg10 : memref<!tpu.dma_semaphore, #tpu.memory_space<semaphore_mem>>) src(%dma_wait3A_738 : memref<32x128xf32, #tpu.memory_space<hbm>>) dst(%dma_wait3A_735 : memref<32x128xf32, #tpu.memory_space<vmem>>)
      %slice3A_739 = vector.extract_strided_slice %and3A_278 {offsets = [8], sizes = [1], strides = [1]} : vector<16xi32> to vector<1xi32>
      %squeeze3A_740 = vector.extract %slice3A_739[0] : i32 from vector<1xi32>
      %broadcast_in_dim3A_741 = vector.broadcast %squeeze3A_740 : i32 to vector<16xi32>
      %gather3A_742 = arith.constant 0 : i32
      %gather3A_743 = arith.constant 0 : i32
      %gather3A_744 = arith.constant 0 : i32
      %gather3A_745 = tpu.memref_slice %arg7[%gather3A_742, %gather3A_743, %gather3A_744] : memref<8x32x128xf32, #tpu.memory_space<vmem>> -> memref<1x32x128xf32, #tpu.memory_space<vmem>>
      %gather3A_746 = tpu.memref_squeeze %gather3A_745 : memref<1x32x128xf32, #tpu.memory_space<vmem>> -> memref<32x128xf32, #tpu.memory_space<vmem>>
      %gather3A_747 = tpu.vector_load_idx %gather3A_746[%iota3A, %broadcast_in_dim3A_741] : memref<32x128xf32, #tpu.memory_space<vmem>>[vector<16xi32>, vector<16xi32>], vector<16xf32>,
      %gather3A_748 = arith.constant 0 : i32
      %gather3A_749 = arith.constant 0 : i32
      %gather3A_750 = arith.constant 0 : i32
      %gather3A_751 = tpu.memref_slice %arg7[%gather3A_748, %gather3A_749, %gather3A_750] : memref<8x32x128xf32, #tpu.memory_space<vmem>> -> memref<1x32x128xf32, #tpu.memory_space<vmem>>
      %gather3A_752 = tpu.memref_squeeze %gather3A_751 : memref<1x32x128xf32, #tpu.memory_space<vmem>> -> memref<32x128xf32, #tpu.memory_space<vmem>>
      %gather3A_753 = tpu.vector_load_idx %gather3A_752[%add3A_5, %broadcast_in_dim3A_741] : memref<32x128xf32, #tpu.memory_space<vmem>>[vector<16xi32>, vector<16xi32>], vector<16xf32>,
      %add3A_754 = arith.constant 0 : i32
      %add3A_755 = arith.addi %add3A_618, %add3A_754 : i32
      %mul3A_756 = arith.constant 32 : i32
      %mul3A_757 = arith.muli %add3A_755, %mul3A_756 : i32
      %swap3A_758 = arith.index_cast %mul3A_757 : i32 to index
      %swap3A_759 = tpu.vector_load %arg8[%swap3A_758] {strides = array<i32>} : memref<16384xf32, #tpu.memory_space<vmem>>, vector<16xf32>,
      tpu.vector_store %arg8[%swap3A_758], %gather3A_747 {strides = array<i32>} : memref<16384xf32, #tpu.memory_space<vmem>>, vector<16xf32>,
      %mul3A_760 = arith.constant 32 : i32
      %mul3A_761 = arith.muli %add3A_755, %mul3A_760 : i32
      %add3A_762 = arith.constant 16 : i32
      %add3A_763 = arith.addi %mul3A_761, %add3A_762 : i32
      %swap3A_764 = arith.index_cast %add3A_763 : i32 to index
      %swap3A_765 = tpu.vector_load %arg8[%swap3A_764] {strides = array<i32>} : memref<16384xf32, #tpu.memory_space<vmem>>, vector<16xf32>,
      tpu.vector_store %arg8[%swap3A_764], %gather3A_753 {strides = array<i32>} : memref<16384xf32, #tpu.memory_space<vmem>>, vector<16xf32>,
      %slice3A_766 = vector.extract_strided_slice %and3A_278 {offsets = [9], sizes = [1], strides = [1]} : vector<16xi32> to vector<1xi32>
      %squeeze3A_767 = vector.extract %slice3A_766[0] : i32 from vector<1xi32>
      %broadcast_in_dim3A_768 = vector.broadcast %squeeze3A_767 : i32 to vector<16xi32>
      %gather3A_769 = arith.constant 1 : i32
      %gather3A_770 = arith.constant 0 : i32
      %gather3A_771 = arith.constant 0 : i32
      %gather3A_772 = tpu.memref_slice %arg7[%gather3A_769, %gather3A_770, %gather3A_771] : memref<8x32x128xf32, #tpu.memory_space<vmem>> -> memref<1x32x128xf32, #tpu.memory_space<vmem>>
      %gather3A_773 = tpu.memref_squeeze %gather3A_772 : memref<1x32x128xf32, #tpu.memory_space<vmem>> -> memref<32x128xf32, #tpu.memory_space<vmem>>
      %gather3A_774 = tpu.vector_load_idx %gather3A_773[%iota3A, %broadcast_in_dim3A_768] : memref<32x128xf32, #tpu.memory_space<vmem>>[vector<16xi32>, vector<16xi32>], vector<16xf32>,
      %gather3A_775 = arith.constant 1 : i32
      %gather3A_776 = arith.constant 0 : i32
      %gather3A_777 = arith.constant 0 : i32
      %gather3A_778 = tpu.memref_slice %arg7[%gather3A_775, %gather3A_776, %gather3A_777] : memref<8x32x128xf32, #tpu.memory_space<vmem>> -> memref<1x32x128xf32, #tpu.memory_space<vmem>>
      %gather3A_779 = tpu.memref_squeeze %gather3A_778 : memref<1x32x128xf32, #tpu.memory_space<vmem>> -> memref<32x128xf32, #tpu.memory_space<vmem>>
      %gather3A_780 = tpu.vector_load_idx %gather3A_779[%add3A_5, %broadcast_in_dim3A_768] : memref<32x128xf32, #tpu.memory_space<vmem>>[vector<16xi32>, vector<16xi32>], vector<16xf32>,
      %add3A_781 = arith.constant 1 : i32
      %add3A_782 = arith.addi %add3A_618, %add3A_781 : i32
      %mul3A_783 = arith.constant 32 : i32
      %mul3A_784 = arith.muli %add3A_782, %mul3A_783 : i32
      %swap3A_785 = arith.index_cast %mul3A_784 : i32 to index
      %swap3A_786 = tpu.vector_load %arg8[%swap3A_785] {strides = array<i32>} : memref<16384xf32, #tpu.memory_space<vmem>>, vector<16xf32>,
      tpu.vector_store %arg8[%swap3A_785], %gather3A_774 {strides = array<i32>} : memref<16384xf32, #tpu.memory_space<vmem>>, vector<16xf32>,
      %mul3A_787 = arith.constant 32 : i32
      %mul3A_788 = arith.muli %add3A_782, %mul3A_787 : i32
      %add3A_789 = arith.constant 16 : i32
      %add3A_790 = arith.addi %mul3A_788, %add3A_789 : i32
      %swap3A_791 = arith.index_cast %add3A_790 : i32 to index
      %swap3A_792 = tpu.vector_load %arg8[%swap3A_791] {strides = array<i32>} : memref<16384xf32, #tpu.memory_space<vmem>>, vector<16xf32>,
      tpu.vector_store %arg8[%swap3A_791], %gather3A_780 {strides = array<i32>} : memref<16384xf32, #tpu.memory_space<vmem>>, vector<16xf32>,
      %slice3A_793 = vector.extract_strided_slice %and3A_278 {offsets = [10], sizes = [1], strides = [1]} : vector<16xi32> to vector<1xi32>
      %squeeze3A_794 = vector.extract %slice3A_793[0] : i32 from vector<1xi32>
      %broadcast_in_dim3A_795 = vector.broadcast %squeeze3A_794 : i32 to vector<16xi32>
      %gather3A_796 = arith.constant 2 : i32
      %gather3A_797 = arith.constant 0 : i32
      %gather3A_798 = arith.constant 0 : i32
      %gather3A_799 = tpu.memref_slice %arg7[%gather3A_796, %gather3A_797, %gather3A_798] : memref<8x32x128xf32, #tpu.memory_space<vmem>> -> memref<1x32x128xf32, #tpu.memory_space<vmem>>
      %gather3A_800 = tpu.memref_squeeze %gather3A_799 : memref<1x32x128xf32, #tpu.memory_space<vmem>> -> memref<32x128xf32, #tpu.memory_space<vmem>>
      %gather3A_801 = tpu.vector_load_idx %gather3A_800[%iota3A, %broadcast_in_dim3A_795] : memref<32x128xf32, #tpu.memory_space<vmem>>[vector<16xi32>, vector<16xi32>], vector<16xf32>,
      %gather3A_802 = arith.constant 2 : i32
      %gather3A_803 = arith.constant 0 : i32
      %gather3A_804 = arith.constant 0 : i32
      %gather3A_805 = tpu.memref_slice %arg7[%gather3A_802, %gather3A_803, %gather3A_804] : memref<8x32x128xf32, #tpu.memory_space<vmem>> -> memref<1x32x128xf32, #tpu.memory_space<vmem>>
      %gather3A_806 = tpu.memref_squeeze %gather3A_805 : memref<1x32x128xf32, #tpu.memory_space<vmem>> -> memref<32x128xf32, #tpu.memory_space<vmem>>
      %gather3A_807 = tpu.vector_load_idx %gather3A_806[%add3A_5, %broadcast_in_dim3A_795] : memref<32x128xf32, #tpu.memory_space<vmem>>[vector<16xi32>, vector<16xi32>], vector<16xf32>,
      %add3A_808 = arith.constant 2 : i32
      %add3A_809 = arith.addi %add3A_618, %add3A_808 : i32
      %mul3A_810 = arith.constant 32 : i32
      %mul3A_811 = arith.muli %add3A_809, %mul3A_810 : i32
      %swap3A_812 = arith.index_cast %mul3A_811 : i32 to index
      %swap3A_813 = tpu.vector_load %arg8[%swap3A_812] {strides = array<i32>} : memref<16384xf32, #tpu.memory_space<vmem>>, vector<16xf32>,
      tpu.vector_store %arg8[%swap3A_812], %gather3A_801 {strides = array<i32>} : memref<16384xf32, #tpu.memory_space<vmem>>, vector<16xf32>,
      %mul3A_814 = arith.constant 32 : i32
      %mul3A_815 = arith.muli %add3A_809, %mul3A_814 : i32
      %add3A_816 = arith.constant 16 : i32
      %add3A_817 = arith.addi %mul3A_815, %add3A_816 : i32
      %swap3A_818 = arith.index_cast %add3A_817 : i32 to index
      %swap3A_819 = tpu.vector_load %arg8[%swap3A_818] {strides = array<i32>} : memref<16384xf32, #tpu.memory_space<vmem>>, vector<16xf32>,
      tpu.vector_store %arg8[%swap3A_818], %gather3A_807 {strides = array<i32>} : memref<16384xf32, #tpu.memory_space<vmem>>, vector<16xf32>,
      %slice3A_820 = vector.extract_strided_slice %and3A_278 {offsets = [11], sizes = [1], strides = [1]} : vector<16xi32> to vector<1xi32>
      %squeeze3A_821 = vector.extract %slice3A_820[0] : i32 from vector<1xi32>
      %broadcast_in_dim3A_822 = vector.broadcast %squeeze3A_821 : i32 to vector<16xi32>
      %gather3A_823 = arith.constant 3 : i32
      %gather3A_824 = arith.constant 0 : i32
      %gather3A_825 = arith.constant 0 : i32
      %gather3A_826 = tpu.memref_slice %arg7[%gather3A_823, %gather3A_824, %gather3A_825] : memref<8x32x128xf32, #tpu.memory_space<vmem>> -> memref<1x32x128xf32, #tpu.memory_space<vmem>>
      %gather3A_827 = tpu.memref_squeeze %gather3A_826 : memref<1x32x128xf32, #tpu.memory_space<vmem>> -> memref<32x128xf32, #tpu.memory_space<vmem>>
      %gather3A_828 = tpu.vector_load_idx %gather3A_827[%iota3A, %broadcast_in_dim3A_822] : memref<32x128xf32, #tpu.memory_space<vmem>>[vector<16xi32>, vector<16xi32>], vector<16xf32>,
      %gather3A_829 = arith.constant 3 : i32
      %gather3A_830 = arith.constant 0 : i32
      %gather3A_831 = arith.constant 0 : i32
      %gather3A_832 = tpu.memref_slice %arg7[%gather3A_829, %gather3A_830, %gather3A_831] : memref<8x32x128xf32, #tpu.memory_space<vmem>> -> memref<1x32x128xf32, #tpu.memory_space<vmem>>
      %gather3A_833 = tpu.memref_squeeze %gather3A_832 : memref<1x32x128xf32, #tpu.memory_space<vmem>> -> memref<32x128xf32, #tpu.memory_space<vmem>>
      %gather3A_834 = tpu.vector_load_idx %gather3A_833[%add3A_5, %broadcast_in_dim3A_822] : memref<32x128xf32, #tpu.memory_space<vmem>>[vector<16xi32>, vector<16xi32>], vector<16xf32>,
      %add3A_835 = arith.constant 3 : i32
      %add3A_836 = arith.addi %add3A_618, %add3A_835 : i32
      %mul3A_837 = arith.constant 32 : i32
      %mul3A_838 = arith.muli %add3A_836, %mul3A_837 : i32
      %swap3A_839 = arith.index_cast %mul3A_838 : i32 to index
      %swap3A_840 = tpu.vector_load %arg8[%swap3A_839] {strides = array<i32>} : memref<16384xf32, #tpu.memory_space<vmem>>, vector<16xf32>,
      tpu.vector_store %arg8[%swap3A_839], %gather3A_828 {strides = array<i32>} : memref<16384xf32, #tpu.memory_space<vmem>>, vector<16xf32>,
      %mul3A_841 = arith.constant 32 : i32
      %mul3A_842 = arith.muli %add3A_836, %mul3A_841 : i32
      %add3A_843 = arith.constant 16 : i32
      %add3A_844 = arith.addi %mul3A_842, %add3A_843 : i32
      %swap3A_845 = arith.index_cast %add3A_844 : i32 to index
      %swap3A_846 = tpu.vector_load %arg8[%swap3A_845] {strides = array<i32>} : memref<16384xf32, #tpu.memory_space<vmem>>, vector<16xf32>,
      tpu.vector_store %arg8[%swap3A_845], %gather3A_834 {strides = array<i32>} : memref<16384xf32, #tpu.memory_space<vmem>>, vector<16xf32>,
      %slice3A_847 = vector.extract_strided_slice %and3A_278 {offsets = [12], sizes = [1], strides = [1]} : vector<16xi32> to vector<1xi32>
      %squeeze3A_848 = vector.extract %slice3A_847[0] : i32 from vector<1xi32>
      %broadcast_in_dim3A_849 = vector.broadcast %squeeze3A_848 : i32 to vector<16xi32>
      %gather3A_850 = arith.constant 4 : i32
      %gather3A_851 = arith.constant 0 : i32
      %gather3A_852 = arith.constant 0 : i32
      %gather3A_853 = tpu.memref_slice %arg7[%gather3A_850, %gather3A_851, %gather3A_852] : memref<8x32x128xf32, #tpu.memory_space<vmem>> -> memref<1x32x128xf32, #tpu.memory_space<vmem>>
      %gather3A_854 = tpu.memref_squeeze %gather3A_853 : memref<1x32x128xf32, #tpu.memory_space<vmem>> -> memref<32x128xf32, #tpu.memory_space<vmem>>
      %gather3A_855 = tpu.vector_load_idx %gather3A_854[%iota3A, %broadcast_in_dim3A_849] : memref<32x128xf32, #tpu.memory_space<vmem>>[vector<16xi32>, vector<16xi32>], vector<16xf32>,
      %gather3A_856 = arith.constant 4 : i32
      %gather3A_857 = arith.constant 0 : i32
      %gather3A_858 = arith.constant 0 : i32
      %gather3A_859 = tpu.memref_slice %arg7[%gather3A_856, %gather3A_857, %gather3A_858] : memref<8x32x128xf32, #tpu.memory_space<vmem>> -> memref<1x32x128xf32, #tpu.memory_space<vmem>>
      %gather3A_860 = tpu.memref_squeeze %gather3A_859 : memref<1x32x128xf32, #tpu.memory_space<vmem>> -> memref<32x128xf32, #tpu.memory_space<vmem>>
      %gather3A_861 = tpu.vector_load_idx %gather3A_860[%add3A_5, %broadcast_in_dim3A_849] : memref<32x128xf32, #tpu.memory_space<vmem>>[vector<16xi32>, vector<16xi32>], vector<16xf32>,
      %add3A_862 = arith.constant 4 : i32
      %add3A_863 = arith.addi %add3A_618, %add3A_862 : i32
      %mul3A_864 = arith.constant 32 : i32
      %mul3A_865 = arith.muli %add3A_863, %mul3A_864 : i32
      %swap3A_866 = arith.index_cast %mul3A_865 : i32 to index
      %swap3A_867 = tpu.vector_load %arg8[%swap3A_866] {strides = array<i32>} : memref<16384xf32, #tpu.memory_space<vmem>>, vector<16xf32>,
      tpu.vector_store %arg8[%swap3A_866], %gather3A_855 {strides = array<i32>} : memref<16384xf32, #tpu.memory_space<vmem>>, vector<16xf32>,
      %mul3A_868 = arith.constant 32 : i32
      %mul3A_869 = arith.muli %add3A_863, %mul3A_868 : i32
      %add3A_870 = arith.constant 16 : i32
      %add3A_871 = arith.addi %mul3A_869, %add3A_870 : i32
      %swap3A_872 = arith.index_cast %add3A_871 : i32 to index
      %swap3A_873 = tpu.vector_load %arg8[%swap3A_872] {strides = array<i32>} : memref<16384xf32, #tpu.memory_space<vmem>>, vector<16xf32>,
      tpu.vector_store %arg8[%swap3A_872], %gather3A_861 {strides = array<i32>} : memref<16384xf32, #tpu.memory_space<vmem>>, vector<16xf32>,
      %slice3A_874 = vector.extract_strided_slice %and3A_278 {offsets = [13], sizes = [1], strides = [1]} : vector<16xi32> to vector<1xi32>
      %squeeze3A_875 = vector.extract %slice3A_874[0] : i32 from vector<1xi32>
      %broadcast_in_dim3A_876 = vector.broadcast %squeeze3A_875 : i32 to vector<16xi32>
      %gather3A_877 = arith.constant 5 : i32
      %gather3A_878 = arith.constant 0 : i32
      %gather3A_879 = arith.constant 0 : i32
      %gather3A_880 = tpu.memref_slice %arg7[%gather3A_877, %gather3A_878, %gather3A_879] : memref<8x32x128xf32, #tpu.memory_space<vmem>> -> memref<1x32x128xf32, #tpu.memory_space<vmem>>
      %gather3A_881 = tpu.memref_squeeze %gather3A_880 : memref<1x32x128xf32, #tpu.memory_space<vmem>> -> memref<32x128xf32, #tpu.memory_space<vmem>>
      %gather3A_882 = tpu.vector_load_idx %gather3A_881[%iota3A, %broadcast_in_dim3A_876] : memref<32x128xf32, #tpu.memory_space<vmem>>[vector<16xi32>, vector<16xi32>], vector<16xf32>,
      %gather3A_883 = arith.constant 5 : i32
      %gather3A_884 = arith.constant 0 : i32
      %gather3A_885 = arith.constant 0 : i32
      %gather3A_886 = tpu.memref_slice %arg7[%gather3A_883, %gather3A_884, %gather3A_885] : memref<8x32x128xf32, #tpu.memory_space<vmem>> -> memref<1x32x128xf32, #tpu.memory_space<vmem>>
      %gather3A_887 = tpu.memref_squeeze %gather3A_886 : memref<1x32x128xf32, #tpu.memory_space<vmem>> -> memref<32x128xf32, #tpu.memory_space<vmem>>
      %gather3A_888 = tpu.vector_load_idx %gather3A_887[%add3A_5, %broadcast_in_dim3A_876] : memref<32x128xf32, #tpu.memory_space<vmem>>[vector<16xi32>, vector<16xi32>], vector<16xf32>,
      %add3A_889 = arith.constant 5 : i32
      %add3A_890 = arith.addi %add3A_618, %add3A_889 : i32
      %mul3A_891 = arith.constant 32 : i32
      %mul3A_892 = arith.muli %add3A_890, %mul3A_891 : i32
      %swap3A_893 = arith.index_cast %mul3A_892 : i32 to index
      %swap3A_894 = tpu.vector_load %arg8[%swap3A_893] {strides = array<i32>} : memref<16384xf32, #tpu.memory_space<vmem>>, vector<16xf32>,
      tpu.vector_store %arg8[%swap3A_893], %gather3A_882 {strides = array<i32>} : memref<16384xf32, #tpu.memory_space<vmem>>, vector<16xf32>,
      %mul3A_895 = arith.constant 32 : i32
      %mul3A_896 = arith.muli %add3A_890, %mul3A_895 : i32
      %add3A_897 = arith.constant 16 : i32
      %add3A_898 = arith.addi %mul3A_896, %add3A_897 : i32
      %swap3A_899 = arith.index_cast %add3A_898 : i32 to index
      %swap3A_900 = tpu.vector_load %arg8[%swap3A_899] {strides = array<i32>} : memref<16384xf32, #tpu.memory_space<vmem>>, vector<16xf32>,
      tpu.vector_store %arg8[%swap3A_899], %gather3A_888 {strides = array<i32>} : memref<16384xf32, #tpu.memory_space<vmem>>, vector<16xf32>,
      %slice3A_901 = vector.extract_strided_slice %and3A_278 {offsets = [14], sizes = [1], strides = [1]} : vector<16xi32> to vector<1xi32>
      %squeeze3A_902 = vector.extract %slice3A_901[0] : i32 from vector<1xi32>
      %broadcast_in_dim3A_903 = vector.broadcast %squeeze3A_902 : i32 to vector<16xi32>
      %gather3A_904 = arith.constant 6 : i32
      %gather3A_905 = arith.constant 0 : i32
      %gather3A_906 = arith.constant 0 : i32
      %gather3A_907 = tpu.memref_slice %arg7[%gather3A_904, %gather3A_905, %gather3A_906] : memref<8x32x128xf32, #tpu.memory_space<vmem>> -> memref<1x32x128xf32, #tpu.memory_space<vmem>>
      %gather3A_908 = tpu.memref_squeeze %gather3A_907 : memref<1x32x128xf32, #tpu.memory_space<vmem>> -> memref<32x128xf32, #tpu.memory_space<vmem>>
      %gather3A_909 = tpu.vector_load_idx %gather3A_908[%iota3A, %broadcast_in_dim3A_903] : memref<32x128xf32, #tpu.memory_space<vmem>>[vector<16xi32>, vector<16xi32>], vector<16xf32>,
      %gather3A_910 = arith.constant 6 : i32
      %gather3A_911 = arith.constant 0 : i32
      %gather3A_912 = arith.constant 0 : i32
      %gather3A_913 = tpu.memref_slice %arg7[%gather3A_910, %gather3A_911, %gather3A_912] : memref<8x32x128xf32, #tpu.memory_space<vmem>> -> memref<1x32x128xf32, #tpu.memory_space<vmem>>
      %gather3A_914 = tpu.memref_squeeze %gather3A_913 : memref<1x32x128xf32, #tpu.memory_space<vmem>> -> memref<32x128xf32, #tpu.memory_space<vmem>>
      %gather3A_915 = tpu.vector_load_idx %gather3A_914[%add3A_5, %broadcast_in_dim3A_903] : memref<32x128xf32, #tpu.memory_space<vmem>>[vector<16xi32>, vector<16xi32>], vector<16xf32>,
      %add3A_916 = arith.constant 6 : i32
      %add3A_917 = arith.addi %add3A_618, %add3A_916 : i32
      %mul3A_918 = arith.constant 32 : i32
      %mul3A_919 = arith.muli %add3A_917, %mul3A_918 : i32
      %swap3A_920 = arith.index_cast %mul3A_919 : i32 to index
      %swap3A_921 = tpu.vector_load %arg8[%swap3A_920] {strides = array<i32>} : memref<16384xf32, #tpu.memory_space<vmem>>, vector<16xf32>,
      tpu.vector_store %arg8[%swap3A_920], %gather3A_909 {strides = array<i32>} : memref<16384xf32, #tpu.memory_space<vmem>>, vector<16xf32>,
      %mul3A_922 = arith.constant 32 : i32
      %mul3A_923 = arith.muli %add3A_917, %mul3A_922 : i32
      %add3A_924 = arith.constant 16 : i32
      %add3A_925 = arith.addi %mul3A_923, %add3A_924 : i32
      %swap3A_926 = arith.index_cast %add3A_925 : i32 to index
      %swap3A_927 = tpu.vector_load %arg8[%swap3A_926] {strides = array<i32>} : memref<16384xf32, #tpu.memory_space<vmem>>, vector<16xf32>,
      tpu.vector_store %arg8[%swap3A_926], %gather3A_915 {strides = array<i32>} : memref<16384xf32, #tpu.memory_space<vmem>>, vector<16xf32>,
      %slice3A_928 = vector.extract_strided_slice %and3A_278 {offsets = [15], sizes = [1], strides = [1]} : vector<16xi32> to vector<1xi32>
      %squeeze3A_929 = vector.extract %slice3A_928[0] : i32 from vector<1xi32>
      %broadcast_in_dim3A_930 = vector.broadcast %squeeze3A_929 : i32 to vector<16xi32>
      %gather3A_931 = arith.constant 7 : i32
      %gather3A_932 = arith.constant 0 : i32
      %gather3A_933 = arith.constant 0 : i32
      %gather3A_934 = tpu.memref_slice %arg7[%gather3A_931, %gather3A_932, %gather3A_933] : memref<8x32x128xf32, #tpu.memory_space<vmem>> -> memref<1x32x128xf32, #tpu.memory_space<vmem>>
      %gather3A_935 = tpu.memref_squeeze %gather3A_934 : memref<1x32x128xf32, #tpu.memory_space<vmem>> -> memref<32x128xf32, #tpu.memory_space<vmem>>
      %gather3A_936 = tpu.vector_load_idx %gather3A_935[%iota3A, %broadcast_in_dim3A_930] : memref<32x128xf32, #tpu.memory_space<vmem>>[vector<16xi32>, vector<16xi32>], vector<16xf32>,
      %gather3A_937 = arith.constant 7 : i32
      %gather3A_938 = arith.constant 0 : i32
      %gather3A_939 = arith.constant 0 : i32
      %gather3A_940 = tpu.memref_slice %arg7[%gather3A_937, %gather3A_938, %gather3A_939] : memref<8x32x128xf32, #tpu.memory_space<vmem>> -> memref<1x32x128xf32, #tpu.memory_space<vmem>>
      %gather3A_941 = tpu.memref_squeeze %gather3A_940 : memref<1x32x128xf32, #tpu.memory_space<vmem>> -> memref<32x128xf32, #tpu.memory_space<vmem>>
      %gather3A_942 = tpu.vector_load_idx %gather3A_941[%add3A_5, %broadcast_in_dim3A_930] : memref<32x128xf32, #tpu.memory_space<vmem>>[vector<16xi32>, vector<16xi32>], vector<16xf32>,
      %add3A_943 = arith.constant 7 : i32
      %add3A_944 = arith.addi %add3A_618, %add3A_943 : i32
      %mul3A_945 = arith.constant 32 : i32
      %mul3A_946 = arith.muli %add3A_944, %mul3A_945 : i32
      %swap3A_947 = arith.index_cast %mul3A_946 : i32 to index
      %swap3A_948 = tpu.vector_load %arg8[%swap3A_947] {strides = array<i32>} : memref<16384xf32, #tpu.memory_space<vmem>>, vector<16xf32>,
      tpu.vector_store %arg8[%swap3A_947], %gather3A_936 {strides = array<i32>} : memref<16384xf32, #tpu.memory_space<vmem>>, vector<16xf32>,
      %mul3A_949 = arith.constant 32 : i32
      %mul3A_950 = arith.muli %add3A_944, %mul3A_949 : i32
      %add3A_951 = arith.constant 16 : i32
      %add3A_952 = arith.addi %mul3A_950, %add3A_951 : i32
      %swap3A_953 = arith.index_cast %add3A_952 : i32 to index
      %swap3A_954 = tpu.vector_load %arg8[%swap3A_953] {strides = array<i32>} : memref<16384xf32, #tpu.memory_space<vmem>>, vector<16xf32>,
      tpu.vector_store %arg8[%swap3A_953], %gather3A_942 {strides = array<i32>} : memref<16384xf32, #tpu.memory_space<vmem>>, vector<16xf32>,
      %lt3A_955 = arith.constant 31 : i32
      %lt3A_956 = arith.cmpi slt, %scan3A_272, %lt3A_955 : i32
      %convert_element_type3A_957 = arith.extui %lt3A_956 : i1 to i32
      %cond3A_958 = arith.constant 0 : i32
      %cond3A_959 = arith.cmpi ne, %convert_element_type3A_957, %cond3A_958 : i32
      scf.if %cond3A_959 {
        %add3A_960 = arith.constant 1 : i32
        %add3A_961 = arith.addi %scan3A_272, %add3A_960 : i32
        %mul3A_962 = arith.constant 16 : i32
        %mul3A_963 = arith.muli %add3A_961, %mul3A_962 : i32
        %get3A_964 = arith.index_cast %mul3A_963 : i32 to index
        %get3A_965 = tpu.vector_load %arg5[%get3A_964] {strides = array<i32>} : memref<512xi32, #tpu.memory_space<vmem>>, vector<16xi32>,
        %shift_right_logical3A_966 = arith.constant 7 : i32
        %shift_right_logical3A_967 = vector.broadcast %shift_right_logical3A_966 : i32 to vector<16xi32>
        %shift_right_logical3A_968 = arith.shrui %get3A_965, %shift_right_logical3A_967 : vector<16xi32>
        %shift_left3A_969 = arith.constant 7 : i32
        %shift_left3A_970 = vector.broadcast %shift_left3A_969 : i32 to vector<16xi32>
        %shift_left3A_971 = arith.shli %shift_right_logical3A_968, %shift_left3A_970 : vector<16xi32>
        %slice3A_972 = vector.extract_strided_slice %shift_left3A_971 {offsets = [8], sizes = [1], strides = [1]} : vector<16xi32> to vector<1xi32>
        %squeeze3A_973 = vector.extract %slice3A_972[0] : i32 from vector<1xi32>
        %multiple_of3A_974 = tpu.assume_multiple %squeeze3A_973, 128 : i32
        %dma_start3A_975 = arith.constant 0 : i32
        %dma_start3A_976 = arith.constant 0 : i32
        %dma_start3A_977 = arith.constant 0 : i32
        %dma_start3A_978 = tpu.memref_slice %arg7[%dma_start3A_975, %dma_start3A_976, %dma_start3A_977] : memref<8x32x128xf32, #tpu.memory_space<vmem>> -> memref<1x32x128xf32, #tpu.memory_space<vmem>>
        %dma_start3A_979 = tpu.memref_squeeze %dma_start3A_978 : memref<1x32x128xf32, #tpu.memory_space<vmem>> -> memref<32x128xf32, #tpu.memory_space<vmem>>
        %dma_start3A_980 = arith.constant 0 : i32
        %dma_start3A_981 = tpu.memref_slice %arg2[%dma_start3A_980, %multiple_of3A_974] : memref<32x1000000xf32, #tpu.memory_space<hbm>> -> memref<32x128xf32, #tpu.memory_space<hbm>>
        %dma_start3A_982 = arith.constant 0 : i32
        %dma_start3A_983 = arith.constant 0 : i32
        %dma_start3A_984 = tpu.memref_slice %arg7[%dma_start3A_975, %dma_start3A_982, %dma_start3A_983] : memref<8x32x128xf32, #tpu.memory_space<vmem>> -> memref<1x32x128xf32, #tpu.memory_space<vmem>>
        %dma_start3A_985 = tpu.memref_squeeze %dma_start3A_984 : memref<1x32x128xf32, #tpu.memory_space<vmem>> -> memref<32x128xf32, #tpu.memory_space<vmem>>
        %dma_start3A_986 = arith.constant 0 : i32
        %dma_start3A_987 = tpu.memref_slice %arg2[%dma_start3A_986, %multiple_of3A_974] : memref<32x1000000xf32, #tpu.memory_space<hbm>> -> memref<32x128xf32, #tpu.memory_space<hbm>>
        tpu.enqueue_dma source(%dma_start3A_987 : memref<32x128xf32, #tpu.memory_space<hbm>>) target(%dma_start3A_985 : memref<32x128xf32, #tpu.memory_space<vmem>>) target_semaphore(%arg10 : memref<!tpu.dma_semaphore, #tpu.memory_space<semaphore_mem>>)
        %slice3A_988 = vector.extract_strided_slice %shift_left3A_971 {offsets = [9], sizes = [1], strides = [1]} : vector<16xi32> to vector<1xi32>
        %squeeze3A_989 = vector.extract %slice3A_988[0] : i32 from vector<1xi32>
        %multiple_of3A_990 = tpu.assume_multiple %squeeze3A_989, 128 : i32
        %dma_start3A_991 = arith.constant 1 : i32
        %dma_start3A_992 = arith.constant 0 : i32
        %dma_start3A_993 = arith.constant 0 : i32
        %dma_start3A_994 = tpu.memref_slice %arg7[%dma_start3A_991, %dma_start3A_992, %dma_start3A_993] : memref<8x32x128xf32, #tpu.memory_space<vmem>> -> memref<1x32x128xf32, #tpu.memory_space<vmem>>
        %dma_start3A_995 = tpu.memref_squeeze %dma_start3A_994 : memref<1x32x128xf32, #tpu.memory_space<vmem>> -> memref<32x128xf32, #tpu.memory_space<vmem>>
        %dma_start3A_996 = arith.constant 0 : i32
        %dma_start3A_997 = tpu.memref_slice %arg2[%dma_start3A_996, %multiple_of3A_990] : memref<32x1000000xf32, #tpu.memory_space<hbm>> -> memref<32x128xf32, #tpu.memory_space<hbm>>
        %dma_start3A_998 = arith.constant 0 : i32
        %dma_start3A_999 = arith.constant 0 : i32
        %dma_start3A_1000 = tpu.memref_slice %arg7[%dma_start3A_991, %dma_start3A_998, %dma_start3A_999] : memref<8x32x128xf32, #tpu.memory_space<vmem>> -> memref<1x32x128xf32, #tpu.memory_space<vmem>>
        %dma_start3A_1001 = tpu.memref_squeeze %dma_start3A_1000 : memref<1x32x128xf32, #tpu.memory_space<vmem>> -> memref<32x128xf32, #tpu.memory_space<vmem>>
        %dma_start3A_1002 = arith.constant 0 : i32
        %dma_start3A_1003 = tpu.memref_slice %arg2[%dma_start3A_1002, %multiple_of3A_990] : memref<32x1000000xf32, #tpu.memory_space<hbm>> -> memref<32x128xf32, #tpu.memory_space<hbm>>
        tpu.enqueue_dma source(%dma_start3A_1003 : memref<32x128xf32, #tpu.memory_space<hbm>>) target(%dma_start3A_1001 : memref<32x128xf32, #tpu.memory_space<vmem>>) target_semaphore(%arg10 : memref<!tpu.dma_semaphore, #tpu.memory_space<semaphore_mem>>)
        %slice3A_1004 = vector.extract_strided_slice %shift_left3A_971 {offsets = [10], sizes = [1], strides = [1]} : vector<16xi32> to vector<1xi32>
        %squeeze3A_1005 = vector.extract %slice3A_1004[0] : i32 from vector<1xi32>
        %multiple_of3A_1006 = tpu.assume_multiple %squeeze3A_1005, 128 : i32
        %dma_start3A_1007 = arith.constant 2 : i32
        %dma_start3A_1008 = arith.constant 0 : i32
        %dma_start3A_1009 = arith.constant 0 : i32
        %dma_start3A_1010 = tpu.memref_slice %arg7[%dma_start3A_1007, %dma_start3A_1008, %dma_start3A_1009] : memref<8x32x128xf32, #tpu.memory_space<vmem>> -> memref<1x32x128xf32, #tpu.memory_space<vmem>>
        %dma_start3A_1011 = tpu.memref_squeeze %dma_start3A_1010 : memref<1x32x128xf32, #tpu.memory_space<vmem>> -> memref<32x128xf32, #tpu.memory_space<vmem>>
        %dma_start3A_1012 = arith.constant 0 : i32
        %dma_start3A_1013 = tpu.memref_slice %arg2[%dma_start3A_1012, %multiple_of3A_1006] : memref<32x1000000xf32, #tpu.memory_space<hbm>> -> memref<32x128xf32, #tpu.memory_space<hbm>>
        %dma_start3A_1014 = arith.constant 0 : i32
        %dma_start3A_1015 = arith.constant 0 : i32
        %dma_start3A_1016 = tpu.memref_slice %arg7[%dma_start3A_1007, %dma_start3A_1014, %dma_start3A_1015] : memref<8x32x128xf32, #tpu.memory_space<vmem>> -> memref<1x32x128xf32, #tpu.memory_space<vmem>>
        %dma_start3A_1017 = tpu.memref_squeeze %dma_start3A_1016 : memref<1x32x128xf32, #tpu.memory_space<vmem>> -> memref<32x128xf32, #tpu.memory_space<vmem>>
        %dma_start3A_1018 = arith.constant 0 : i32
        %dma_start3A_1019 = tpu.memref_slice %arg2[%dma_start3A_1018, %multiple_of3A_1006] : memref<32x1000000xf32, #tpu.memory_space<hbm>> -> memref<32x128xf32, #tpu.memory_space<hbm>>
        tpu.enqueue_dma source(%dma_start3A_1019 : memref<32x128xf32, #tpu.memory_space<hbm>>) target(%dma_start3A_1017 : memref<32x128xf32, #tpu.memory_space<vmem>>) target_semaphore(%arg10 : memref<!tpu.dma_semaphore, #tpu.memory_space<semaphore_mem>>)
        %slice3A_1020 = vector.extract_strided_slice %shift_left3A_971 {offsets = [11], sizes = [1], strides = [1]} : vector<16xi32> to vector<1xi32>
        %squeeze3A_1021 = vector.extract %slice3A_1020[0] : i32 from vector<1xi32>
        %multiple_of3A_1022 = tpu.assume_multiple %squeeze3A_1021, 128 : i32
        %dma_start3A_1023 = arith.constant 3 : i32
        %dma_start3A_1024 = arith.constant 0 : i32
        %dma_start3A_1025 = arith.constant 0 : i32
        %dma_start3A_1026 = tpu.memref_slice %arg7[%dma_start3A_1023, %dma_start3A_1024, %dma_start3A_1025] : memref<8x32x128xf32, #tpu.memory_space<vmem>> -> memref<1x32x128xf32, #tpu.memory_space<vmem>>
        %dma_start3A_1027 = tpu.memref_squeeze %dma_start3A_1026 : memref<1x32x128xf32, #tpu.memory_space<vmem>> -> memref<32x128xf32, #tpu.memory_space<vmem>>
        %dma_start3A_1028 = arith.constant 0 : i32
        %dma_start3A_1029 = tpu.memref_slice %arg2[%dma_start3A_1028, %multiple_of3A_1022] : memref<32x1000000xf32, #tpu.memory_space<hbm>> -> memref<32x128xf32, #tpu.memory_space<hbm>>
        %dma_start3A_1030 = arith.constant 0 : i32
        %dma_start3A_1031 = arith.constant 0 : i32
        %dma_start3A_1032 = tpu.memref_slice %arg7[%dma_start3A_1023, %dma_start3A_1030, %dma_start3A_1031] : memref<8x32x128xf32, #tpu.memory_space<vmem>> -> memref<1x32x128xf32, #tpu.memory_space<vmem>>
        %dma_start3A_1033 = tpu.memref_squeeze %dma_start3A_1032 : memref<1x32x128xf32, #tpu.memory_space<vmem>> -> memref<32x128xf32, #tpu.memory_space<vmem>>
        %dma_start3A_1034 = arith.constant 0 : i32
        %dma_start3A_1035 = tpu.memref_slice %arg2[%dma_start3A_1034, %multiple_of3A_1022] : memref<32x1000000xf32, #tpu.memory_space<hbm>> -> memref<32x128xf32, #tpu.memory_space<hbm>>
        tpu.enqueue_dma source(%dma_start3A_1035 : memref<32x128xf32, #tpu.memory_space<hbm>>) target(%dma_start3A_1033 : memref<32x128xf32, #tpu.memory_space<vmem>>) target_semaphore(%arg10 : memref<!tpu.dma_semaphore, #tpu.memory_space<semaphore_mem>>)
        %slice3A_1036 = vector.extract_strided_slice %shift_left3A_971 {offsets = [12], sizes = [1], strides = [1]} : vector<16xi32> to vector<1xi32>
        %squeeze3A_1037 = vector.extract %slice3A_1036[0] : i32 from vector<1xi32>
        %multiple_of3A_1038 = tpu.assume_multiple %squeeze3A_1037, 128 : i32
        %dma_start3A_1039 = arith.constant 4 : i32
        %dma_start3A_1040 = arith.constant 0 : i32
        %dma_start3A_1041 = arith.constant 0 : i32
        %dma_start3A_1042 = tpu.memref_slice %arg7[%dma_start3A_1039, %dma_start3A_1040, %dma_start3A_1041] : memref<8x32x128xf32, #tpu.memory_space<vmem>> -> memref<1x32x128xf32, #tpu.memory_space<vmem>>
        %dma_start3A_1043 = tpu.memref_squeeze %dma_start3A_1042 : memref<1x32x128xf32, #tpu.memory_space<vmem>> -> memref<32x128xf32, #tpu.memory_space<vmem>>
        %dma_start3A_1044 = arith.constant 0 : i32
        %dma_start3A_1045 = tpu.memref_slice %arg2[%dma_start3A_1044, %multiple_of3A_1038] : memref<32x1000000xf32, #tpu.memory_space<hbm>> -> memref<32x128xf32, #tpu.memory_space<hbm>>
        %dma_start3A_1046 = arith.constant 0 : i32
        %dma_start3A_1047 = arith.constant 0 : i32
        %dma_start3A_1048 = tpu.memref_slice %arg7[%dma_start3A_1039, %dma_start3A_1046, %dma_start3A_1047] : memref<8x32x128xf32, #tpu.memory_space<vmem>> -> memref<1x32x128xf32, #tpu.memory_space<vmem>>
        %dma_start3A_1049 = tpu.memref_squeeze %dma_start3A_1048 : memref<1x32x128xf32, #tpu.memory_space<vmem>> -> memref<32x128xf32, #tpu.memory_space<vmem>>
        %dma_start3A_1050 = arith.constant 0 : i32
        %dma_start3A_1051 = tpu.memref_slice %arg2[%dma_start3A_1050, %multiple_of3A_1038] : memref<32x1000000xf32, #tpu.memory_space<hbm>> -> memref<32x128xf32, #tpu.memory_space<hbm>>
        tpu.enqueue_dma source(%dma_start3A_1051 : memref<32x128xf32, #tpu.memory_space<hbm>>) target(%dma_start3A_1049 : memref<32x128xf32, #tpu.memory_space<vmem>>) target_semaphore(%arg10 : memref<!tpu.dma_semaphore, #tpu.memory_space<semaphore_mem>>)
        %slice3A_1052 = vector.extract_strided_slice %shift_left3A_971 {offsets = [13], sizes = [1], strides = [1]} : vector<16xi32> to vector<1xi32>
        %squeeze3A_1053 = vector.extract %slice3A_1052[0] : i32 from vector<1xi32>
        %multiple_of3A_1054 = tpu.assume_multiple %squeeze3A_1053, 128 : i32
        %dma_start3A_1055 = arith.constant 5 : i32
        %dma_start3A_1056 = arith.constant 0 : i32
        %dma_start3A_1057 = arith.constant 0 : i32
        %dma_start3A_1058 = tpu.memref_slice %arg7[%dma_start3A_1055, %dma_start3A_1056, %dma_start3A_1057] : memref<8x32x128xf32, #tpu.memory_space<vmem>> -> memref<1x32x128xf32, #tpu.memory_space<vmem>>
        %dma_start3A_1059 = tpu.memref_squeeze %dma_start3A_1058 : memref<1x32x128xf32, #tpu.memory_space<vmem>> -> memref<32x128xf32, #tpu.memory_space<vmem>>
        %dma_start3A_1060 = arith.constant 0 : i32
        %dma_start3A_1061 = tpu.memref_slice %arg2[%dma_start3A_1060, %multiple_of3A_1054] : memref<32x1000000xf32, #tpu.memory_space<hbm>> -> memref<32x128xf32, #tpu.memory_space<hbm>>
        %dma_start3A_1062 = arith.constant 0 : i32
        %dma_start3A_1063 = arith.constant 0 : i32
        %dma_start3A_1064 = tpu.memref_slice %arg7[%dma_start3A_1055, %dma_start3A_1062, %dma_start3A_1063] : memref<8x32x128xf32, #tpu.memory_space<vmem>> -> memref<1x32x128xf32, #tpu.memory_space<vmem>>
        %dma_start3A_1065 = tpu.memref_squeeze %dma_start3A_1064 : memref<1x32x128xf32, #tpu.memory_space<vmem>> -> memref<32x128xf32, #tpu.memory_space<vmem>>
        %dma_start3A_1066 = arith.constant 0 : i32
        %dma_start3A_1067 = tpu.memref_slice %arg2[%dma_start3A_1066, %multiple_of3A_1054] : memref<32x1000000xf32, #tpu.memory_space<hbm>> -> memref<32x128xf32, #tpu.memory_space<hbm>>
        tpu.enqueue_dma source(%dma_start3A_1067 : memref<32x128xf32, #tpu.memory_space<hbm>>) target(%dma_start3A_1065 : memref<32x128xf32, #tpu.memory_space<vmem>>) target_semaphore(%arg10 : memref<!tpu.dma_semaphore, #tpu.memory_space<semaphore_mem>>)
        %slice3A_1068 = vector.extract_strided_slice %shift_left3A_971 {offsets = [14], sizes = [1], strides = [1]} : vector<16xi32> to vector<1xi32>
        %squeeze3A_1069 = vector.extract %slice3A_1068[0] : i32 from vector<1xi32>
        %multiple_of3A_1070 = tpu.assume_multiple %squeeze3A_1069, 128 : i32
        %dma_start3A_1071 = arith.constant 6 : i32
        %dma_start3A_1072 = arith.constant 0 : i32
        %dma_start3A_1073 = arith.constant 0 : i32
        %dma_start3A_1074 = tpu.memref_slice %arg7[%dma_start3A_1071, %dma_start3A_1072, %dma_start3A_1073] : memref<8x32x128xf32, #tpu.memory_space<vmem>> -> memref<1x32x128xf32, #tpu.memory_space<vmem>>
        %dma_start3A_1075 = tpu.memref_squeeze %dma_start3A_1074 : memref<1x32x128xf32, #tpu.memory_space<vmem>> -> memref<32x128xf32, #tpu.memory_space<vmem>>
        %dma_start3A_1076 = arith.constant 0 : i32
        %dma_start3A_1077 = tpu.memref_slice %arg2[%dma_start3A_1076, %multiple_of3A_1070] : memref<32x1000000xf32, #tpu.memory_space<hbm>> -> memref<32x128xf32, #tpu.memory_space<hbm>>
        %dma_start3A_1078 = arith.constant 0 : i32
        %dma_start3A_1079 = arith.constant 0 : i32
        %dma_start3A_1080 = tpu.memref_slice %arg7[%dma_start3A_1071, %dma_start3A_1078, %dma_start3A_1079] : memref<8x32x128xf32, #tpu.memory_space<vmem>> -> memref<1x32x128xf32, #tpu.memory_space<vmem>>
        %dma_start3A_1081 = tpu.memref_squeeze %dma_start3A_1080 : memref<1x32x128xf32, #tpu.memory_space<vmem>> -> memref<32x128xf32, #tpu.memory_space<vmem>>
        %dma_start3A_1082 = arith.constant 0 : i32
        %dma_start3A_1083 = tpu.memref_slice %arg2[%dma_start3A_1082, %multiple_of3A_1070] : memref<32x1000000xf32, #tpu.memory_space<hbm>> -> memref<32x128xf32, #tpu.memory_space<hbm>>
        tpu.enqueue_dma source(%dma_start3A_1083 : memref<32x128xf32, #tpu.memory_space<hbm>>) target(%dma_start3A_1081 : memref<32x128xf32, #tpu.memory_space<vmem>>) target_semaphore(%arg10 : memref<!tpu.dma_semaphore, #tpu.memory_space<semaphore_mem>>)
        %slice3A_1084 = vector.extract_strided_slice %shift_left3A_971 {offsets = [15], sizes = [1], strides = [1]} : vector<16xi32> to vector<1xi32>
        %squeeze3A_1085 = vector.extract %slice3A_1084[0] : i32 from vector<1xi32>
        %multiple_of3A_1086 = tpu.assume_multiple %squeeze3A_1085, 128 : i32
        %dma_start3A_1087 = arith.constant 7 : i32
        %dma_start3A_1088 = arith.constant 0 : i32
        %dma_start3A_1089 = arith.constant 0 : i32
        %dma_start3A_1090 = tpu.memref_slice %arg7[%dma_start3A_1087, %dma_start3A_1088, %dma_start3A_1089] : memref<8x32x128xf32, #tpu.memory_space<vmem>> -> memref<1x32x128xf32, #tpu.memory_space<vmem>>
        %dma_start3A_1091 = tpu.memref_squeeze %dma_start3A_1090 : memref<1x32x128xf32, #tpu.memory_space<vmem>> -> memref<32x128xf32, #tpu.memory_space<vmem>>
        %dma_start3A_1092 = arith.constant 0 : i32
        %dma_start3A_1093 = tpu.memref_slice %arg2[%dma_start3A_1092, %multiple_of3A_1086] : memref<32x1000000xf32, #tpu.memory_space<hbm>> -> memref<32x128xf32, #tpu.memory_space<hbm>>
        %dma_start3A_1094 = arith.constant 0 : i32
        %dma_start3A_1095 = arith.constant 0 : i32
        %dma_start3A_1096 = tpu.memref_slice %arg7[%dma_start3A_1087, %dma_start3A_1094, %dma_start3A_1095] : memref<8x32x128xf32, #tpu.memory_space<vmem>> -> memref<1x32x128xf32, #tpu.memory_space<vmem>>
        %dma_start3A_1097 = tpu.memref_squeeze %dma_start3A_1096 : memref<1x32x128xf32, #tpu.memory_space<vmem>> -> memref<32x128xf32, #tpu.memory_space<vmem>>
        %dma_start3A_1098 = arith.constant 0 : i32
        %dma_start3A_1099 = tpu.memref_slice %arg2[%dma_start3A_1098, %multiple_of3A_1086] : memref<32x1000000xf32, #tpu.memory_space<hbm>> -> memref<32x128xf32, #tpu.memory_space<hbm>>
        tpu.enqueue_dma source(%dma_start3A_1099 : memref<32x128xf32, #tpu.memory_space<hbm>>) target(%dma_start3A_1097 : memref<32x128xf32, #tpu.memory_space<vmem>>) target_semaphore(%arg10 : memref<!tpu.dma_semaphore, #tpu.memory_space<semaphore_mem>>)
      } else {
      }
    }
    %scan3A_268 = arith.constant 32 : i32
    %mul3A_269 = arith.constant 32 : i32
    %mul3A_270 = arith.muli %mul3A_2, %mul3A_269 : i32
    %multiple_of3A_271 = tpu.assume_multiple %mul3A_270, 8 : i32
    "tpu.region"() ({
      %run_scoped3A = tpu.sem_alloc : memref<!tpu.dma_semaphore, #tpu.memory_space<semaphore_mem>>
      %dma_start3A_272 = tpu.memref_slice %arg4[%multiple_of3A_271] : memref<524288xf32, #tpu.memory_space<hbm>> -> memref<16384xf32, #tpu.memory_space<hbm>>
      %dma_start3A_273 = tpu.memref_slice %arg4[%multiple_of3A_271] : memref<524288xf32, #tpu.memory_space<hbm>> -> memref<16384xf32, #tpu.memory_space<hbm>>
      tpu.enqueue_dma source(%arg8 : memref<16384xf32, #tpu.memory_space<vmem>>) target(%dma_start3A_273 : memref<16384xf32, #tpu.memory_space<hbm>>) target_semaphore(%run_scoped3A : memref<!tpu.dma_semaphore, #tpu.memory_space<semaphore_mem>>)
      %dma_wait3A = tpu.memref_slice %arg4[%multiple_of3A_271] : memref<524288xf32, #tpu.memory_space<hbm>> -> memref<16384xf32, #tpu.memory_space<hbm>>
      %dma_wait3A_274 = tpu.memref_slice %arg4[%multiple_of3A_271] : memref<524288xf32, #tpu.memory_space<hbm>> -> memref<16384xf32, #tpu.memory_space<hbm>>
      tpu.wait_dma2 semaphore(%run_scoped3A : memref<!tpu.dma_semaphore, #tpu.memory_space<semaphore_mem>>) src(%arg8 : memref<16384xf32, #tpu.memory_space<vmem>>) dst(%dma_wait3A_274 : memref<16384xf32, #tpu.memory_space<hbm>>)
      tpu.yield
    }) : () -> ()
    return
  }
}

</mosaic_0001>

<sc_bundles>
// kernel: kernel.3.cloned.1.call-start
scs
__scs_entry_jumppad:
0x0: {  	(pc) =	sbr.rel $0x88, $3  }
0x1: {  	(tag) =	ssettag $0x0;
	lr =	simm.s32 $0x1  }
0x2: {  	[smem:$0x3F9F] =	sst lr;
	_ =	strace $0xD0000000  }
0x3: {  	_ = 	snop  }
0x4: {  	_ = 	snop  }
0x5: {  	_ = 	snop  }
0x6: {  	_ = 	snop  }
0x7: {  	_ = 	snop  }
__scs_overlays_trampoline_lowered:
0x8: {  	[smem:$0x3FAE] =	sst s0  }
0x9: {  	[smem:$0x3FAF] =	sst s1  }
0xa: {  	[smem:$0x3FB0] =	sst s2  }
0xb: {  	[smem:$0x3FB1] =	sst s3  }
0xc: {  	[smem:$0x3FB2] =	sst s4  }
0xd: {  	[smem:$0x3FB3] =	sst s5  }
0xe: {  	[smem:$0x3FB4] =	sst s6  }
0xf: {  	[smem:$0x3FB5] =	sst s7  }
0x10: {  	[smem:$0x3FB6] =	sst s8  }
0x11: {  	[smem:$0x3FB7] =	sst s9;
	s0 =	simm.s32 @!p0 $0x0  }
0x12: {  	s1 =	sld [smem:$0x3F9D];
	s0 =	simm.s32 @p0 $0x1  }
0x13: {  	[smem:$0x3FB8] =	sst s0;
	s0 =	simm.s32 @!p1 $0x0  }
0x14: {  	s2 =	sld [smem:$0x3F9C];
	s0 =	simm.s32 @p1 $0x1  }
0x15: {  	[smem:$0x3FB9] =	sst s0;
	s0 =	simm.s32 @!p2 $0x0  }
0x16: {  	s3 =	sld [smem:$0x3FDB];
	s0 =	simm.s32 @p2 $0x1  }
0x17: {  	s4 =	simm.s32 $0x1BF5;
	[smem:$0x3FBB] =	sst s0  }
0x18: {  	s0 =	sld [smem:$0x3F9E];
	_ =	swait.ge [sflag:s4], $0x0  }
0x19: {  	s7 =	sld [smem:$0x3F9F]  }
0x1a: {  	s8 =	sadd.s32 $0xFFFFE003, lr  }
0x1b: {  	s9 =	sadd.s32 $0xFFFFFEF7, lr;
	s5 =	simm.s32 $0xFFFFFFFF;
	p2 =	slt.u32 s8, $0xFFFFF086  }
0x1c: {  	p1 =	slt.u32 s9, $0xF7A;
	s5 =	simm.s32 @!p2 $0x0  }
0x1d: {  	s5 =	simm.s32 @p1 $0x1;
	p0 =	seq.s32 s7, s2  }
0x1e: {  	s7 =	smul.u32 @!p0 $0xF7A, s2;
	p2 =	seq.s32 @!p0 s5, $0x0  }
0x1f: {  	s9 =	smul.u32 $0xF7A, s1;
	s8 =	simm.s32 @!p0 $0x1BF5;
	p2 =	por !p2, p0  }
0x20: {  	[sflag:s8] =	ssyncset.s32 @!p0 $0xFFFFF086;
	s6 =	sadd.s32 @!p0 s3, s7;
	s7 =	simm.s32 @!p0 $0x108  }
0x21: {  	s3 =	sadd.s32 s3, s9;
	s6 =	sadd.s32 @!p0 $0x88, s6;
	s7 =	simm.s32 @p2 $0x1082  }
0x22: {  	[simem:s7], [sflag:s8] =	dma.local @!p0 [hbm:s6], $0xF7A  }
0x23: {  	s9 =	sor.u32 $0xD0000000, s2;
	s6 =	simm.s32 $0x108;
	_ =	swait.ge @!p0 [sflag:s8], $0x0  }
0x24: {  	s3 =	sadd.s32 $0x88, s3;
	s6 =	simm.s32 @!p1 $0x1082;
	[sflag:s4] =	ssyncset.s32 $0xFFFFF086  }
0x25: {  	[simem:s6], [sflag:s4] =	dma.local [hbm:s3], $0xF7A  }
0x26: {  	[smem:$0x3F9F] =	sst s1;
	(tag) =	ssettag s2;
	_ =	strace s9  }
0x27: {  	s1 =	sld [smem:$0x3FAF]  }
0x28: {  	s2 =	sld [smem:$0x3FB0]  }
0x29: {  	s4 =	sld [smem:$0x3FB2]  }
0x2a: {  	p0 =	seq.s32 s5, $0x0;
	s5 =	sld [smem:$0x3FB3]  }
0x2b: {  	s6 =	sld [smem:$0x3FB4]  }
0x2c: {  	s7 =	sld [smem:$0x3FB5]  }
0x2d: {  	s3 =	simm.s32 $0x108;
	s8 =	sld [smem:$0x3FB6]  }
0x2e: {  	s3 =	simm.s32 @!p0 $0x1082;
	s9 =	sld [smem:$0x3FB7]  }
0x2f: {  	lr =	sadd.s32 s0, s3;
	s0 =	sld [smem:$0x3FAE]  }
0x30: {  	s3 =	sld [smem:$0x3FB1]  }
0x31: {  	[smem:$0x3FBA] =	sst s10  }
0x32: {  	s10 =	sld [smem:$0x3FB8];
	_ =	sdelay $0x3  }
0x33: {  	p0 =	seq.s32 s10, $0x1;
	s10 =	sld [smem:$0x3FBA];
	_ =	sdelay $0x3  }
0x34: {  	[smem:$0x3FBA] =	sst s10  }
0x35: {  	s10 =	sld [smem:$0x3FB9];
	_ =	sdelay $0x3  }
0x36: {  	p1 =	seq.s32 s10, $0x1;
	s10 =	sld [smem:$0x3FBA];
	_ =	sdelay $0x3  }
0x37: {  	[smem:$0x3FBA] =	sst s10  }
0x38: {  	s10 =	sld [smem:$0x3FBB]  }
0x39: {  	_ = 	snop;
	(pc) =	sbr.ind lr, $3  }
0x3a: {  	_ = 	snop  }
0x3b: {  	_ = 	snop  }
0x3c: {  	p2 =	seq.s32 s10, $0x1;
	s10 =	sld [smem:$0x3FBA]  }
0x3d: {  	_ =	shalt  }
0x3e: {  	_ =	shalt  }
0x3f: {  	_ =	shalt  }
0x40: {  	_ =	shalt  }
0x41: {  	_ =	shalt  }
0x42: {  	_ =	shalt  }
0x43: {  	_ =	shalt  }
0x44: {  	_ =	shalt  }
0x45: {  	_ =	shalt  }
0x46: {  	_ =	shalt  }
0x47: {  	_ =	shalt  }
0x48: {  	_ =	shalt  }
0x49: {  	_ =	shalt  }
0x4a: {  	_ =	shalt  }
0x4b: {  	_ =	shalt  }
0x4c: {  	_ =	shalt  }
0x4d: {  	_ =	shalt  }
0x4e: {  	_ =	shalt  }
0x4f: {  	_ =	shalt  }
0x50: {  	_ =	shalt  }
0x51: {  	_ =	shalt  }
0x52: {  	_ =	shalt  }
0x53: {  	_ =	shalt  }
0x54: {  	_ =	shalt  }
0x55: {  	_ =	shalt  }
0x56: {  	_ =	shalt  }
0x57: {  	_ =	shalt  }
0x58: {  	_ =	shalt  }
0x59: {  	_ =	shalt  }
0x5a: {  	_ =	shalt  }
0x5b: {  	_ =	shalt  }
0x5c: {  	_ =	shalt  }
0x5d: {  	_ =	shalt  }
0x5e: {  	_ =	shalt  }
0x5f: {  	_ =	shalt  }
0x60: {  	_ =	shalt  }
0x61: {  	_ =	shalt  }
0x62: {  	_ =	shalt  }
0x63: {  	_ =	shalt  }
0x64: {  	_ =	shalt  }
0x65: {  	_ =	shalt  }
0x66: {  	_ =	shalt  }
0x67: {  	_ =	shalt  }
0x68: {  	_ =	shalt  }
0x69: {  	_ =	shalt  }
0x6a: {  	_ =	shalt  }
0x6b: {  	_ =	shalt  }
0x6c: {  	_ =	shalt  }
0x6d: {  	_ =	shalt  }
0x6e: {  	_ =	shalt  }
0x6f: {  	_ =	shalt  }
0x70: {  	_ =	shalt  }
0x71: {  	_ =	shalt  }
0x72: {  	_ =	shalt  }
0x73: {  	_ =	shalt  }
0x74: {  	_ =	shalt  }
0x75: {  	_ =	shalt  }
0x76: {  	_ =	shalt  }
0x77: {  	_ =	shalt  }
0x78: {  	_ =	shalt  }
0x79: {  	_ =	shalt  }
0x7a: {  	_ =	shalt  }
0x7b: {  	_ =	shalt  }
0x7c: {  	_ =	shalt  }
0x7d: {  	_ =	shalt  }
0x7e: {  	_ =	shalt  }
0x7f: {  	_ =	shalt  }
0x80: {  	_ =	shalt  }
0x81: {  	_ =	shalt  }
0x82: {  	_ =	shalt  }
0x83: {  	_ =	shalt  }
0x84: {  	_ =	shalt  }
0x85: {  	_ =	shalt  }
0x86: {  	_ =	shalt  }
0x87: {  	_ =	shalt  }
.Lfunc_end0:
.L_simem_size_0:
called_computation_lowered:
.L_overlay_start_0:
0x88: {  	s2 =	sld [smem:$0x3FD9]  }
0x89: {  	s3 =	sld [smem:$0x3FFE];
	_ =	sdelay $0x1  }
0x8a: {  	s1 =	srdreg.scid  }
0x8b: {  	s0 =	sand.u32 $0x1, s1  }
0x8c: {  	s18 =	sshll.u32 s0, $0xA;
	s2 =	sadd.s32 s3, s2  }
0x8d: {  	s2 =	sadd.s32 s2, s18  }
0x8e: {  	[smem:$0x3FC6] =	sst s2  }
0x8f: {  	_ = 	snop  }
0x90: {  	s2 =	sld [smem:$0x3FC9]  }
0x91: {  	s19 =	sld [smem:$0x3FC8]  }
0x92: {  	s4 =	sld [smem:$0x3FD0];
	(tm) =	ssettm $0x1  }
0x93: {  	s5 =	sld [smem:$0x3FFB];
	_ =	sdelay $0x3  }
0x94: {  	_ =	strace s5  }
0x95: {  	s5 =	sld [smem:$0x3FFC];
	_ =	sdelay $0x3  }
0x96: {  	_ =	strace s5  }
0x97: {  	s5 =	sld [smem:$0x3FFD];
	_ =	sdelay $0x3  }
0x98: {  	_ =	strace s5  }
0x99: {  	_ =	strace $0x8FFFFFFF  }
0x9a: {  	s20 =	sld [smem:$0x3FDB];
	_ =	sdelay $0x1  }
0x9b: {  	s6 =	simm.s32 $_scs_section_size  }
0x9c: {  	s7 =	simm.s32 $_size__tile_overlayer_lowered;
	s8 =	simm.s32 $_tile_overlayer_lowered  }
0x9d: {  	s23 =	simm.s32 $0x1BFF;
	s22 =	sshll.u32 s8, $0x1;
	s5 =	sadd.s32 s6, s20  }
0x9e: {  	s9 =	simm.s32 $0x0;
	s21 =	sshll.u32 s7, $0x1;
	s7 =	sadd.s32 s22, s5  }
0x9f: {  	[timem:s9], [sflag:s23] =	dma.local [hbm:s7], s21  }
0xa0: {  	_ =	swait.ge [sflag:s23], s21  }
0xa1: {  	s6 =	ssub.s32 $0x0, s21;
	[sflag:s23] =	ssyncset.done $0x0  }
0xa2: {  	[sflag:s23] =	ssyncadd.s32 s6;
	_ =	sdelay $0x1  }
0xa3: {  	s24 =	simm.s32 $0x1B8B  }
0xa4: {  	_ =	swait.ge [sflag:s24], $0x1  }
0xa5: {  	[sflag:s24] =	ssyncset.done $0x0  }
0xa6: {  	s25 =	simm.s32 $0x1B8E;
	[sflag:s24] =	ssyncadd.s32 $0xFFFFFFFF  }
0xa7: {  	s26 =	simm.s32 $execute0_lowered;
	[smem:$0x3FD2] =	sst s25  }
0xa8: {  	s6 =	sshll.u32 s26, $0x1;
	_ =	strace $0x80000046;
	[dreg:$0x1] =	wrdreg $0xFFFFFFFF  }
0xa9: {  	s28 =	simm.s32 $_size_execute0_lowered;
	s5 =	sadd.s32 s5, s6;
	[dreg:$0x0] =	wrdreg $0x0  }
0xaa: {  	s6 =	sshll.u32 s28, $0x1;
	[dreg:$0x2] =	wrdreg s5  }
0xab: {  	[dreg:$0x3] =	wrdreg s6  }
0xac: {  	[dreg:$0x4] =	wrdreg $0xC0  }
0xad: {  	_ =	task [dreg:s9], $0x5FFFF  }
0xae: {  	[dreg:$0x1] =	wrdreg $0xFFFFFFFF  }
0xaf: {  	[dreg:$0x0] =	wrdreg $0x60  }
0xb0: {  	[dreg:$0x2] =	wrdreg s2  }
0xb1: {  	[dreg:$0x3] =	wrdreg s19  }
0xb2: {  	[dreg:$0x4] =	wrdreg s4  }
0xb3: {  	[dreg:$0x5] =	wrdreg $0x9  }
0xb4: {  	_ =	task.clear_ibuf [dreg:s9], $0x6FFFF;
	_ =	strace $0x90000046  }
0xb5: {  	s29 =	simm.s32 $0x9;
	_ =	strace $0x80000048  }
0xb6: {  	_ =	swait.ge [sflag:s29], $0x1  }
0xb7: {  	[sflag:s29] =	ssyncadd.s32 $0xFFFFFFFF  }
0xb8: {  	_ =	strace $0x90000048  }
0xb9: {  	_ =	sfence  }
0xba: {  	s30 =	sld [smem:$0x0];
	_ =	sdelay $0x2  }
0xbb: {  	s31 =	sshll.u32 s1, $0xD;
	s1 =	sshrl.u32 s1, $0x2  }
0xbc: {  	s3 =	sand.u32 $0x4000, s31;
	s1 =	sadd.s32 s1, s30  }
0xbd: {  	s0 =	sor.u32 s3, s0;
	s1 =	sshll.u32 s1, $0x11  }
0xbe: {  	s0 =	sor.u32 s1, s0  }
0xbf: {  	s0 =	sadd.s32 $0x8F2B, s0  }
0xc0: {  	[sflag:s0] =	ssyncadd.remote.s32 $0x1  }
0xc1: {  	_ =	sfence.sel $0xFFFF  }
0xc2: {  	[dreg:$0x0] =	wrdreg $0xFFFFFFFF;
	(pc) =	sbr.abs _section_cstart, $3  }
0xc3: {  	[dreg:$0x1] =	wrdreg $0xFFFFFFFF  }
0xc4: {  	_ =	task.clear_ibuf [dreg:s9], $0x2FFFF;
	_ =	strace $0x9FFFFFFF  }
0xc5: {  	(tm) =	ssettm $0x7FFFFFFF  }
tec
execute0_lowered:
.L_overlay_start_1:
0x0: {  	(tag) =	ssettag $0x1  }
0x1: {  	s1 =	rddreg [dreg:$0x0]  }
0x2: {  	s0 =	rddreg [dreg:$0x1]  }
0x3: {  	s2 =	rddreg [dreg:$0x2];
	s29 =	simm.s32 $0x0;
	s4 =	srdreg.scid  }
0x4: {  	s3 =	stileid.u32;
	s9 =	simm.s32 $0x7A1400;
	s10 =	simm.s32 $0x200  }
0x5: {  	s11 =	simm.s32 $0x1200;
	s12 =	simm.s32 $0x2200;
	s13 =	simm.s32 $0x3200  }
0x6: {  	s14 =	simm.s32 $0x4200;
	s15 =	simm.s32 $0x5200;
	s16 =	simm.s32 $0x6200  }
0x7: {  	s17 =	simm.s32 $0x7200;
	s18 =	simm.s32 $0x8200;
	s19 =	simm.s32 $0x9200  }
0x8: {  	s20 =	simm.s32 $0xA200;
	s21 =	simm.s32 $0xB200;
	s22 =	simm.s32 $0xC200  }
0x9: {  	s23 =	simm.s32 $0xD200;
	s24 =	simm.s32 $0xE200;
	s25 =	simm.s32 $0xF200  }
0xa: {  	s28 =	simm.s32 $0x2;
	s30 =	simm.s32 $0x0;
	[smem:$0x7FF] =	sst s29  }
0xb: {  	s4 =	sand.u32 $0x1, s4;
	s5 =	sshll.u32 s3, $0x1;
	_ =	strace $0x80000047  }
.Ltmp0:
0xc: {  	s6 =	ssub.s32 $0x2, s4;
	s4 =	sor.u32 s4, s5;
	(pc) =	sbr.rel .LBB2_1-.Ltmp0, $4  }
0xd: {  	v0 =	vlaneseq.u32;
	s26 =	sshrl.u32 s6, $0x1;
	s7 =	sshll.u32 s4, $0x6;
	s8 =	sshll.u32 s4, $0xB  }
0xe: {  	v0 =	vmul.u32 $0x80, v0;
	s6 =	ssub.s32 s6, s26;
	s0 =	sadd.s32 s0, s7;
	s31 =	sadd.s32 s2, s8  }
0xf: {  	s7 =	simm.s32 $0x3;
	s8 =	simm.s32 $0x400;
	[dreg:$0x4] =	wrdreg s0  }
0x10: {  	v1 =	vor.u32 $0x800, v0;
	s26 =	simm.s32 $0x1;
	[dreg:$0x5] =	wrdreg s31;
	s6 =	smax.u32 s6, $0x1  }
.LBB2_4:
0x11: {  	s30 =	sadd.s32 $0x1, s30  }
0x12: {  	s29 =	simm.s32 $0x0;
	p0 =	sne.s32 s30, s6  }
.Ltmp1:
0x13: {  	s0 =	rddreg [dreg:$0x5];
	s2 =	simm.s32 $0x10200;
	(pc) =	sbr.rel @!p0 .LBB2_5-.Ltmp1, $4  }
0x14: {  	[hbm4b:s0+s29] =	stream.linear.scatter [tilespmem:s2], [sflag:$0x3], $0x4000, $0x38;
	[tilespmem:$0x14200] =	vst v63  }
0x15: {  	_ =	swait.ge [sflag:s7], $0x4000  }
0x16: {  	[sflag:s7] =	ssyncset.done $0x0  }
0x17: {  	[sflag:s7] =	ssyncadd.s32 $0xFFFFC000  }
.LBB2_1:
0x18: {  	s0 =	rddreg [dreg:$0x4]  }
0x19: {  	[tilespmem:s29], [sflag:$0x3] =	stream.linear.gather [hbm4b:s0+s29], $0x200, $0x38;
	[tilespmem:$0x14200] =	vst v63  }
0x1a: {  	_ =	swait.ge [sflag:s7], $0x200  }
0x1b: {  	[sflag:s7] =	ssyncset.done $0x0  }
0x1c: {  	[sflag:s7] =	ssyncadd.s32 $0xFFFFFE00  }
0x1d: {  	v2 =	vld [tilespmem:$0x0];
	_ =	sdelay $0x4  }
0x1e: {  	v2 =	vand.u32 $0xFFFFFF80, v2  }
0x1f: {  	v2 =	vadd.s32 s1, v2  }
0x20: {  	(v2sf) =	vpush v2, $0x0;
	_ =	sdelay $0x1  }
0x21: {  	(v2sf) =	vpush v2, $0x1;
	_ =	sdelay $0x1  }
0x22: {  	(v2sf) =	vpush v2, $0x2;
	_ =	sdelay $0x1  }
0x23: {  	(v2sf) =	vpush v2, $0x3;
	_ =	sdelay $0x1  }
0x24: {  	(v2sf) =	vpush v2, $0x4;
	_ =	sdelay $0x1  }
0x25: {  	(v2sf) =	vpush v2, $0x5;
	_ =	sdelay $0x1  }
0x26: {  	(v2sf) =	vpush v2, $0x6;
	_ =	sdelay $0x1  }
0x27: {  	(v2sf) =	vpush v2, $0x7  }
0x28: {  	s29 =	spop (v2sf)  }
0x29: {  	(v2sf) =	vpush v2, $0x8;
	[tilespmem:s10], [sflag:$0x1] =	stream.strided.gather [hbm4b:s29+s8], $0x1000, s9, s8, $0x38;
	[tilespmem:$0x14200] =	vst v63  }
0x2a: {  	s2 =	spop (v2sf)  }
0x2b: {  	(v2sf) =	vpush v2, $0x9;
	[tilespmem:s11], [sflag:$0x1] =	stream.strided.gather [hbm4b:s2+s8], $0x1000, s9, s8, $0x38;
	[tilespmem:$0x14200] =	vst v63  }
0x2c: {  	s3 =	spop (v2sf)  }
0x2d: {  	(v2sf) =	vpush v2, $0xA;
	[tilespmem:s12], [sflag:$0x1] =	stream.strided.gather [hbm4b:s3+s8], $0x1000, s9, s8, $0x38;
	[tilespmem:$0x14200] =	vst v63  }
0x2e: {  	s4 =	spop (v2sf)  }
0x2f: {  	(v2sf) =	vpush v2, $0xB;
	[tilespmem:s13], [sflag:$0x1] =	stream.strided.gather [hbm4b:s4+s8], $0x1000, s9, s8, $0x38;
	[tilespmem:$0x14200] =	vst v63  }
0x30: {  	s5 =	spop (v2sf)  }
0x31: {  	(v2sf) =	vpush v2, $0xC;
	[tilespmem:s14], [sflag:$0x1] =	stream.strided.gather [hbm4b:s5+s8], $0x1000, s9, s8, $0x38;
	[tilespmem:$0x14200] =	vst v63  }
0x32: {  	s29 =	spop (v2sf)  }
0x33: {  	(v2sf) =	vpush v2, $0xD;
	[tilespmem:s15], [sflag:$0x1] =	stream.strided.gather [hbm4b:s29+s8], $0x1000, s9, s8, $0x38;
	[tilespmem:$0x14200] =	vst v63  }
0x34: {  	s2 =	spop (v2sf)  }
0x35: {  	(v2sf) =	vpush v2, $0xE;
	[tilespmem:s16], [sflag:$0x1] =	stream.strided.gather [hbm4b:s2+s8], $0x1000, s9, s8, $0x38;
	[tilespmem:$0x14200] =	vst v63  }
0x36: {  	s3 =	spop (v2sf)  }
0x37: {  	(v2sf) =	vpush v2, $0xF;
	[tilespmem:s17], [sflag:$0x1] =	stream.strided.gather [hbm4b:s3+s8], $0x1000, s9, s8, $0x38;
	[tilespmem:$0x14200] =	vst v63  }
0x38: {  	s4 =	spop (v2sf)  }
0x39: {  	[tilespmem:s18], [sflag:$0x2] =	stream.strided.gather [hbm4b:s4+s8], $0x1000, s9, s8, $0x38;
	[tilespmem:$0x14200] =	vst v63  }
0x3a: {  	s5 =	spop (v2sf)  }
0x3b: {  	[tilespmem:s19], [sflag:$0x2] =	stream.strided.gather [hbm4b:s5+s8], $0x1000, s9, s8, $0x38;
	[tilespmem:$0x14200] =	vst v63  }
0x3c: {  	s29 =	spop (v2sf)  }
0x3d: {  	[tilespmem:s20], [sflag:$0x2] =	stream.strided.gather [hbm4b:s29+s8], $0x1000, s9, s8, $0x38;
	[tilespmem:$0x14200] =	vst v63  }
0x3e: {  	s2 =	spop (v2sf)  }
0x3f: {  	[tilespmem:s21], [sflag:$0x2] =	stream.strided.gather [hbm4b:s2+s8], $0x1000, s9, s8, $0x38;
	[tilespmem:$0x14200] =	vst v63  }
0x40: {  	s3 =	spop (v2sf)  }
0x41: {  	[tilespmem:s22], [sflag:$0x2] =	stream.strided.gather [hbm4b:s3+s8], $0x1000, s9, s8, $0x38;
	[tilespmem:$0x14200] =	vst v63  }
0x42: {  	s4 =	spop (v2sf)  }
0x43: {  	[tilespmem:s23], [sflag:$0x2] =	stream.strided.gather [hbm4b:s4+s8], $0x1000, s9, s8, $0x38;
	[tilespmem:$0x14200] =	vst v63  }
0x44: {  	s5 =	spop (v2sf)  }
0x45: {  	[tilespmem:s24], [sflag:$0x2] =	stream.strided.gather [hbm4b:s5+s8], $0x1000, s9, s8, $0x38;
	[tilespmem:$0x14200] =	vst v63  }
0x46: {  	s31 =	simm.s32 $0x10300;
	s0 =	simm.s32 $0x0;
	s29 =	spop (v2sf)  }
0x47: {  	[tilespmem:s25], [sflag:$0x2] =	stream.strided.gather [hbm4b:s29+s8], $0x1000, s9, s8, $0x38;
	[tilespmem:$0x14200] =	vst v63  }
.LBB2_2:
0x48: {  	s2 =	sshra.s32 s0, $0x2  }
0x49: {  	v2 =	vld [tilespmem:s2+$0x0];
	_ =	swait.ge [sflag:s26], $0x1000  }
0x4a: {  	[sflag:s26] =	ssyncset.done $0x0  }
0x4b: {  	[sflag:s26] =	ssyncadd.s32 $0xFFFFF000  }
0x4c: {  	_ =	swait.ge [sflag:s26], $0x1000  }
0x4d: {  	[sflag:s26] =	ssyncset.done $0x0  }
0x4e: {  	[sflag:s26] =	ssyncadd.s32 $0xFFFFF000  }
0x4f: {  	_ =	swait.ge [sflag:s26], $0x1000  }
0x50: {  	[sflag:s26] =	ssyncset.done $0x0  }
0x51: {  	[sflag:s26] =	ssyncadd.s32 $0xFFFFF000  }
0x52: {  	_ =	swait.ge [sflag:s26], $0x1000  }
0x53: {  	[sflag:s26] =	ssyncset.done $0x0  }
0x54: {  	[sflag:s26] =	ssyncadd.s32 $0xFFFFF000  }
0x55: {  	_ =	swait.ge [sflag:s26], $0x1000  }
0x56: {  	[sflag:s26] =	ssyncset.done $0x0  }
0x57: {  	[sflag:s26] =	ssyncadd.s32 $0xFFFFF000  }
0x58: {  	_ =	swait.ge [sflag:s26], $0x1000  }
0x59: {  	v2 =	vand.u32 $0x7F, v2;
	[sflag:s26] =	ssyncset.done $0x0  }
0x5a: {  	v3 =	vbroadcast v2, $0x0;
	[sflag:s26] =	ssyncadd.s32 $0xFFFFF000  }
0x5b: {  	_ =	swait.ge [sflag:s26], $0x1000  }
0x5c: {  	v4 =	vor.u32 v0, v3;
	[sflag:s26] =	ssyncset.done $0x0  }
0x5d: {  	v3 =	vor.u32 v1, v3;
	[sflag:s26] =	ssyncadd.s32 $0xFFFFF000  }
0x5e: {  	_ =	swait.ge [sflag:s26], $0x1000  }
0x5f: {  	[sflag:s26] =	ssyncset.done $0x0  }
0x60: {  	[sflag:s26] =	ssyncadd.s32 $0xFFFFF000  }
0x61: {  	v5 =	vbroadcast v2, $0x1;
	v4 =	vld.idx.msk [tilespmem:v4+s10+$0x0], $0xffff  }
0x62: {  	v3 =	vld.idx.msk [tilespmem:v3+s10+$0x0], $0xffff  }
0x63: {  	v6 =	vor.u32 v0, v5  }
0x64: {  	v5 =	vor.u32 v1, v5;
	_ =	sdelay $0x1  }
0x65: {  	[tilespmem:s31+$0xFFFFFF00] =	vst v4  }
0x66: {  	[tilespmem:s31+$0xFFFFFF10] =	vst v3  }
0x67: {  	v38 =	vbroadcast v2, $0x2;
	v3 =	vld.idx.msk [tilespmem:v6+s11+$0x0], $0xffff  }
0x68: {  	v5 =	vld.idx.msk [tilespmem:v5+s11+$0x0], $0xffff  }
0x69: {  	v39 =	vor.u32 v0, v38  }
0x6a: {  	v4 =	vor.u32 v1, v38;
	_ =	sdelay $0x1  }
0x6b: {  	[tilespmem:s31+$0xFFFFFF20] =	vst v3  }
0x6c: {  	[tilespmem:s31+$0xFFFFFF30] =	vst v5  }
0x6d: {  	v40 =	vbroadcast v2, $0x3;
	v3 =	vld.idx.msk [tilespmem:v39+s12+$0x0], $0xffff  }
0x6e: {  	v4 =	vld.idx.msk [tilespmem:v4+s12+$0x0], $0xffff  }
0x6f: {  	v41 =	vor.u32 v0, v40  }
0x70: {  	v5 =	vor.u32 v1, v40;
	_ =	sdelay $0x1  }
0x71: {  	[tilespmem:s31+$0xFFFFFF40] =	vst v3  }
0x72: {  	[tilespmem:s31+$0xFFFFFF50] =	vst v4  }
0x73: {  	v42 =	vbroadcast v2, $0x4;
	v3 =	vld.idx.msk [tilespmem:v41+s13+$0x0], $0xffff  }
0x74: {  	v5 =	vld.idx.msk [tilespmem:v5+s13+$0x0], $0xffff  }
0x75: {  	v43 =	vor.u32 v0, v42  }
0x76: {  	v4 =	vor.u32 v1, v42;
	_ =	sdelay $0x1  }
0x77: {  	[tilespmem:s31+$0xFFFFFF60] =	vst v3  }
0x78: {  	[tilespmem:s31+$0xFFFFFF70] =	vst v5  }
0x79: {  	v44 =	vbroadcast v2, $0x5;
	v3 =	vld.idx.msk [tilespmem:v43+s14+$0x0], $0xffff  }
0x7a: {  	v4 =	vld.idx.msk [tilespmem:v4+s14+$0x0], $0xffff  }
0x7b: {  	v45 =	vor.u32 v0, v44  }
0x7c: {  	v5 =	vor.u32 v1, v44;
	_ =	sdelay $0x1  }
0x7d: {  	[tilespmem:s31+$0xFFFFFF80] =	vst v3  }
0x7e: {  	[tilespmem:s31+$0xFFFFFF90] =	vst v4  }
0x7f: {  	v46 =	vbroadcast v2, $0x6;
	v3 =	vld.idx.msk [tilespmem:v45+s15+$0x0], $0xffff  }
0x80: {  	v5 =	vld.idx.msk [tilespmem:v5+s15+$0x0], $0xffff  }
0x81: {  	v47 =	vor.u32 v0, v46  }
0x82: {  	v4 =	vor.u32 v1, v46;
	_ =	sdelay $0x1  }
0x83: {  	[tilespmem:s31+$0xFFFFFFA0] =	vst v3  }
0x84: {  	[tilespmem:s31+$0xFFFFFFB0] =	vst v5  }
0x85: {  	v48 =	vbroadcast v2, $0x7;
	v3 =	vld.idx.msk [tilespmem:v47+s16+$0x0], $0xffff  }
0x86: {  	v4 =	vld.idx.msk [tilespmem:v4+s16+$0x0], $0xffff  }
0x87: {  	v49 =	vor.u32 v0, v48  }
0x88: {  	v5 =	vor.u32 v1, v48;
	_ =	sdelay $0x1  }
0x89: {  	[tilespmem:s31+$0xFFFFFFC0] =	vst v3  }
0x8a: {  	[tilespmem:s31+$0xFFFFFFD0] =	vst v4  }
0x8b: {  	v3 =	vld.idx.msk [tilespmem:v49+s17+$0x0], $0xffff  }
0x8c: {  	v4 =	vld.idx.msk [tilespmem:v5+s17+$0x0], $0xffff;
	_ =	sdelay $0x3  }
0x8d: {  	p0 =	seq.s32 s0, $0x7C0;
	[tilespmem:s31+$0xFFFFFFE0] =	vst v3  }
0x8e: {  	s29 =	sshra.s32 @!p0 s0, $0x2;
	[tilespmem:s31+$0xFFFFFFF0] =	vst v4  }
0x8f: {  	v3 =	vld @!p0 [tilespmem:s29+$0x10];
	_ =	sdelay $0x4  }
0x90: {  	v3 =	vand.u32 @!p0 $0xFFFFFF80, v3  }
0x91: {  	v3 =	vadd.s32 @!p0 s1, v3  }
0x92: {  	(v2sf) =	vpush @!p0 v3, $0x0;
	_ =	sdelay $0x2  }
0x93: {  	(v2sf) =	vpush @!p0 v3, $0x1;
	_ =	sdelay $0x1  }
0x94: {  	(v2sf) =	vpush @!p0 v3, $0x2;
	_ =	sdelay $0x1  }
0x95: {  	(v2sf) =	vpush @!p0 v3, $0x3;
	_ =	sdelay $0x1  }
0x96: {  	(v2sf) =	vpush @!p0 v3, $0x4;
	_ =	sdelay $0x1  }
0x97: {  	(v2sf) =	vpush @!p0 v3, $0x5;
	_ =	sdelay $0x1  }
0x98: {  	(v2sf) =	vpush @!p0 v3, $0x6;
	_ =	sdelay $0x1  }
0x99: {  	s29 =	spop @!p0 (v2sf);
	(v2sf) =	vpush @!p0 v3, $0x7  }
0x9a: {  	s3 =	simm.s32 @!p0 $0x400;
	s4 =	simm.s32 @!p0 $0x7A1400;
	s5 =	simm.s32 @!p0 $0x200  }
0x9b: {  	[tilespmem:s5], [sflag:$0x1] =	stream.strided.gather @!p0 [hbm4b:s29+s3], $0x1000, s4, s3, $0x38;
	[tilespmem:$0x14200] =	vst v63  }
0x9c: {  	s5 =	spop @!p0 (v2sf);
	s29 =	simm.s32 @!p0 $0x1200  }
0x9d: {  	[tilespmem:s29], [sflag:$0x1] =	stream.strided.gather @!p0 [hbm4b:s5+s3], $0x1000, s4, s3, $0x38;
	[tilespmem:$0x14200] =	vst v63  }
0x9e: {  	s5 =	spop @!p0 (v2sf);
	s29 =	simm.s32 @!p0 $0x2200  }
0x9f: {  	[tilespmem:s29], [sflag:$0x1] =	stream.strided.gather @!p0 [hbm4b:s5+s3], $0x1000, s4, s3, $0x38;
	[tilespmem:$0x14200] =	vst v63  }
0xa0: {  	s5 =	spop @!p0 (v2sf);
	s29 =	simm.s32 @!p0 $0x3200  }
0xa1: {  	[tilespmem:s29], [sflag:$0x1] =	stream.strided.gather @!p0 [hbm4b:s5+s3], $0x1000, s4, s3, $0x38;
	[tilespmem:$0x14200] =	vst v63  }
0xa2: {  	s5 =	spop @!p0 (v2sf);
	s29 =	simm.s32 @!p0 $0x4200  }
0xa3: {  	[tilespmem:s29], [sflag:$0x1] =	stream.strided.gather @!p0 [hbm4b:s5+s3], $0x1000, s4, s3, $0x38;
	[tilespmem:$0x14200] =	vst v63  }
0xa4: {  	s5 =	spop @!p0 (v2sf);
	s29 =	simm.s32 @!p0 $0x5200  }
0xa5: {  	[tilespmem:s29], [sflag:$0x1] =	stream.strided.gather @!p0 [hbm4b:s5+s3], $0x1000, s4, s3, $0x38;
	[tilespmem:$0x14200] =	vst v63  }
0xa6: {  	s5 =	spop @!p0 (v2sf);
	s29 =	simm.s32 @!p0 $0x6200  }
0xa7: {  	[tilespmem:s29], [sflag:$0x1] =	stream.strided.gather @!p0 [hbm4b:s5+s3], $0x1000, s4, s3, $0x38;
	[tilespmem:$0x14200] =	vst v63  }
0xa8: {  	s29 =	simm.s32 @!p0 $0x7200;
	s5 =	spop @!p0 (v2sf)  }
0xa9: {  	[tilespmem:s29], [sflag:$0x1] =	stream.strided.gather @!p0 [hbm4b:s5+s3], $0x1000, s4, s3, $0x38;
	[tilespmem:$0x14200] =	vst v63  }
0xaa: {  	_ =	swait.ge [sflag:s28], $0x1000  }
0xab: {  	[sflag:s28] =	ssyncset.done $0x0  }
0xac: {  	[sflag:s28] =	ssyncadd.s32 $0xFFFFF000  }
0xad: {  	_ =	swait.ge [sflag:s28], $0x1000  }
0xae: {  	[sflag:s28] =	ssyncset.done $0x0  }
0xaf: {  	[sflag:s28] =	ssyncadd.s32 $0xFFFFF000  }
0xb0: {  	_ =	swait.ge [sflag:s28], $0x1000  }
0xb1: {  	[sflag:s28] =	ssyncset.done $0x0  }
0xb2: {  	[sflag:s28] =	ssyncadd.s32 $0xFFFFF000  }
0xb3: {  	_ =	swait.ge [sflag:s28], $0x1000  }
0xb4: {  	[sflag:s28] =	ssyncset.done $0x0  }
0xb5: {  	[sflag:s28] =	ssyncadd.s32 $0xFFFFF000  }
0xb6: {  	_ =	swait.ge [sflag:s28], $0x1000  }
0xb7: {  	[sflag:s28] =	ssyncset.done $0x0  }
0xb8: {  	[sflag:s28] =	ssyncadd.s32 $0xFFFFF000  }
0xb9: {  	_ =	swait.ge [sflag:s28], $0x1000  }
0xba: {  	[sflag:s28] =	ssyncset.done $0x0  }
0xbb: {  	v3 =	vbroadcast v2, $0x8;
	[sflag:s28] =	ssyncadd.s32 $0xFFFFF000  }
0xbc: {  	_ =	swait.ge [sflag:s28], $0x1000  }
0xbd: {  	v50 =	vor.u32 v0, v3;
	[sflag:s28] =	ssyncset.done $0x0  }
0xbe: {  	v3 =	vor.u32 v1, v3;
	[sflag:s28] =	ssyncadd.s32 $0xFFFFF000  }
0xbf: {  	_ =	swait.ge [sflag:s28], $0x1000  }
0xc0: {  	[sflag:s28] =	ssyncset.done $0x0  }
0xc1: {  	[sflag:s28] =	ssyncadd.s32 $0xFFFFF000  }
0xc2: {  	v51 =	vbroadcast v2, $0x9;
	v4 =	vld.idx.msk [tilespmem:v50+s18+$0x0], $0xffff  }
0xc3: {  	v3 =	vld.idx.msk [tilespmem:v3+s18+$0x0], $0xffff  }
0xc4: {  	v52 =	vor.u32 v0, v51  }
0xc5: {  	v5 =	vor.u32 v1, v51;
	_ =	sdelay $0x1  }
0xc6: {  	[tilespmem:s31+$0x0] =	vst v4  }
0xc7: {  	[tilespmem:s31+$0x10] =	vst v3  }
0xc8: {  	v53 =	vbroadcast v2, $0xA;
	v3 =	vld.idx.msk [tilespmem:v52+s19+$0x0], $0xffff  }
0xc9: {  	v5 =	vld.idx.msk [tilespmem:v5+s19+$0x0], $0xffff  }
0xca: {  	v54 =	vor.u32 v0, v53  }
0xcb: {  	v4 =	vor.u32 v1, v53;
	_ =	sdelay $0x1  }
0xcc: {  	[tilespmem:s31+$0x20] =	vst v3  }
0xcd: {  	[tilespmem:s31+$0x30] =	vst v5  }
0xce: {  	v55 =	vbroadcast v2, $0xB;
	v3 =	vld.idx.msk [tilespmem:v54+s20+$0x0], $0xffff  }
0xcf: {  	v4 =	vld.idx.msk [tilespmem:v4+s20+$0x0], $0xffff  }
0xd0: {  	v56 =	vor.u32 v0, v55  }
0xd1: {  	v5 =	vor.u32 v1, v55;
	_ =	sdelay $0x1  }
0xd2: {  	[tilespmem:s31+$0x40] =	vst v3  }
0xd3: {  	[tilespmem:s31+$0x50] =	vst v4  }
0xd4: {  	v57 =	vbroadcast v2, $0xC;
	v3 =	vld.idx.msk [tilespmem:v56+s21+$0x0], $0xffff  }
0xd5: {  	v5 =	vld.idx.msk [tilespmem:v5+s21+$0x0], $0xffff  }
0xd6: {  	v58 =	vor.u32 v0, v57  }
0xd7: {  	v4 =	vor.u32 v1, v57;
	_ =	sdelay $0x1  }
0xd8: {  	[tilespmem:s31+$0x60] =	vst v3  }
0xd9: {  	[tilespmem:s31+$0x70] =	vst v5  }
0xda: {  	v59 =	vbroadcast v2, $0xD;
	v3 =	vld.idx.msk [tilespmem:v58+s22+$0x0], $0xffff  }
0xdb: {  	v4 =	vld.idx.msk [tilespmem:v4+s22+$0x0], $0xffff  }
0xdc: {  	v60 =	vor.u32 v0, v59  }
0xdd: {  	v5 =	vor.u32 v1, v59;
	_ =	sdelay $0x1  }
0xde: {  	[tilespmem:s31+$0x80] =	vst v3  }
0xdf: {  	[tilespmem:s31+$0x90] =	vst v4  }
0xe0: {  	v61 =	vbroadcast v2, $0xE;
	v3 =	vld.idx.msk [tilespmem:v60+s23+$0x0], $0xffff  }
0xe1: {  	v5 =	vld.idx.msk [tilespmem:v5+s23+$0x0], $0xffff  }
0xe2: {  	v62 =	vor.u32 v0, v61  }
0xe3: {  	v4 =	vor.u32 v1, v61;
	_ =	sdelay $0x1  }
0xe4: {  	[tilespmem:s31+$0xA0] =	vst v3  }
0xe5: {  	[tilespmem:s31+$0xB0] =	vst v5  }
0xe6: {  	v2 =	vbroadcast v2, $0xF;
	v3 =	vld.idx.msk [tilespmem:v62+s24+$0x0], $0xffff  }
0xe7: {  	v4 =	vld.idx.msk [tilespmem:v4+s24+$0x0], $0xffff  }
0xe8: {  	v63 =	vor.u32 v0, v2  }
0xe9: {  	v2 =	vor.u32 v1, v2;
	_ =	sdelay $0x1  }
0xea: {  	[tilespmem:s31+$0xC0] =	vst v3  }
0xeb: {  	[tilespmem:s31+$0xD0] =	vst v4  }
0xec: {  	v3 =	vld.idx.msk [tilespmem:v63+s25+$0x0], $0xffff  }
0xed: {  	v2 =	vld.idx.msk [tilespmem:v2+s25+$0x0], $0xffff  }
.Ltmp2:
0xee: {  	_ = 	snop;
	(pc) =	sbr.rel @p0 .LBB2_4-.Ltmp2, $3  }
0xef: {  	_ =	sdelay $0x1  }
0xf0: {  	[tilespmem:s31+$0xE0] =	vst v3  }
0xf1: {  	[tilespmem:s31+$0xF0] =	vst v2  }
0xf2: {  	v2 =	vld [tilespmem:s2+$0x10];
	_ =	sdelay $0x4  }
0xf3: {  	v2 =	vand.u32 $0xFFFFFF80, v2  }
0xf4: {  	v2 =	vadd.s32 s1, v2  }
0xf5: {  	(v2sf) =	vpush v2, $0x8;
	_ =	sdelay $0x1  }
0xf6: {  	(v2sf) =	vpush v2, $0x9;
	_ =	sdelay $0x1  }
0xf7: {  	(v2sf) =	vpush v2, $0xA;
	_ =	sdelay $0x1  }
0xf8: {  	(v2sf) =	vpush v2, $0xB;
	_ =	sdelay $0x1  }
0xf9: {  	(v2sf) =	vpush v2, $0xC;
	_ =	sdelay $0x1  }
0xfa: {  	(v2sf) =	vpush v2, $0xD;
	_ =	sdelay $0x2  }
0xfb: {  	(v2sf) =	vpush v2, $0xE;
	_ =	sdelay $0x1  }
0xfc: {  	(v2sf) =	vpush v2, $0xF;
	s3 =	spop (v2sf)  }
0xfd: {  	[tilespmem:s18], [sflag:$0x2] =	stream.strided.gather [hbm4b:s3+s8], $0x1000, s9, s8, $0x38;
	[tilespmem:$0x14200] =	vst v63  }
0xfe: {  	s4 =	spop (v2sf)  }
0xff: {  	[tilespmem:s19], [sflag:$0x2] =	stream.strided.gather [hbm4b:s4+s8], $0x1000, s9, s8, $0x38;
	[tilespmem:$0x14200] =	vst v63  }
0x100: {  	s5 =	spop (v2sf)  }
0x101: {  	[tilespmem:s20], [sflag:$0x2] =	stream.strided.gather [hbm4b:s5+s8], $0x1000, s9, s8, $0x38;
	[tilespmem:$0x14200] =	vst v63  }
0x102: {  	s29 =	spop (v2sf)  }
0x103: {  	[tilespmem:s21], [sflag:$0x2] =	stream.strided.gather [hbm4b:s29+s8], $0x1000, s9, s8, $0x38;
	[tilespmem:$0x14200] =	vst v63  }
0x104: {  	s3 =	spop (v2sf)  }
0x105: {  	[tilespmem:s22], [sflag:$0x2] =	stream.strided.gather [hbm4b:s3+s8], $0x1000, s9, s8, $0x38;
	[tilespmem:$0x14200] =	vst v63  }
0x106: {  	s4 =	spop (v2sf)  }
0x107: {  	[tilespmem:s23], [sflag:$0x2] =	stream.strided.gather [hbm4b:s4+s8], $0x1000, s9, s8, $0x38;
	[tilespmem:$0x14200] =	vst v63  }
.Ltmp3:
0x108: {  	_ = 	snop;
	(pc) =	sbr.rel .LBB2_2-.Ltmp3, $4  }
0x109: {  	s5 =	spop (v2sf)  }
0x10a: {  	[tilespmem:s24], [sflag:$0x2] =	stream.strided.gather [hbm4b:s5+s8], $0x1000, s9, s8, $0x38;
	[tilespmem:$0x14200] =	vst v63  }
0x10b: {  	s0 =	sadd.s32 $0x40, s0;
	s31 =	sadd.s32 $0x200, s31;
	s29 =	spop (v2sf)  }
0x10c: {  	[tilespmem:s25], [sflag:$0x2] =	stream.strided.gather [hbm4b:s29+s8], $0x1000, s9, s8, $0x38;
	[tilespmem:$0x14200] =	vst v63  }
.LBB2_5:
0x10d: {  	_ =	sfence.sel $0x180000  }
0x10e: {  	[bflag:$0x0] =	sbarrier.arrive $0xFFFF  }
0x10f: {  	_ =	strace $0x90000047  }
0x110: {  	s0 =	stileid.u32;
	[bflag:$0x2] =	sbarrier.arrive $0xFFFF  }
0x111: {  	p0 =	sne.s32 s0, $0x0;
	s0 =	rddreg [dreg:$0x3]  }
0x112: {  	s0 =	sadd.s32 @!p0 $0x100000, s0  }
0x113: {  	[sflag:s0] =	ssyncadd.tile.s32 @!p0 $0x1;
	_ =	shalt  }
.Lfunc_end2:
_tile_overlayer_lowered:
.L_overlay_start_2:
0x114: {  	(tag) =	ssettag $0x2  }
0x115: {  	s0 =	rddreg [dreg:$0x0];
	s2 =	stileid.u32  }
0x116: {  	s1 =	rddreg [dreg:$0x1];
	p0 =	sne.s32 s2, $0x0  }
0x117: {  	s3 =	rddreg [dreg:$0x2];
	[bflag:$0x3] =	sbarrier.arrive $0xFFFF;
	s2 =	simm.s32 @!p0 $0x1C03  }
0x118: {  	[timem:s3], [sflag:s2] =	dma.local @!p0 [hbm:s0], s1  }
0x119: {  	s0 =	simm.s32 @!p0 $0x3  }
0x11a: {  	_ =	swait.ge @!p0 [sflag:s0], s1  }
0x11b: {  	s1 =	ssub.s32 @!p0 $0x0, s1;
	[sflag:s0] =	ssyncset.done @!p0 $0x0  }
0x11c: {  	[sflag:s0] =	ssyncadd.s32 @!p0 s1  }
0x11d: {  	[bflag:$0x3] =	sbarrier.arrive $0xFFFF  }
0x11e: {  	_ =	shalt  }

</sc_bundles>
